<compile_context>
chip_gen: v7x
topology: tpu7x:2x2x1
jax: 0.10.2.dev20260603
libtpu: 0.0.44.dev20260713+nightly
codegen_flags: <defaults>
</compile_context>

<pallas_src>
import functools

import jax
import jax.numpy as jnp
from jax import lax
from jax.experimental import pallas as pl
from jax.experimental.pallas import tpu as pltpu
from jax.experimental.pallas import tpu_sc as plsc

_K = 4


@functools.lru_cache(maxsize=None)
def _make_kernel(n_lookups, d):
    info = plsc.get_sparse_core_info()
    nw = info.num_cores * info.num_subcores
    b_per_w = n_lookups // nw
    n_chunks = b_per_w // _K
    n_body = (n_chunks - 4) // 3
    assert n_chunks == 1 + 3 * n_body + 3

    mesh = plsc.VectorSubcoreMesh(core_axis_name="c", subcore_axis_name="s")

    @functools.partial(
        pl.kernel,
        mesh=mesh,
        out_type=jax.ShapeDtypeStruct((n_lookups, d), jnp.float32),
        scratch_types=[
            pltpu.VMEM((n_chunks, _K), jnp.int32),
            pltpu.VMEM((_K, d), jnp.float32),
            pltpu.VMEM((_K, d), jnp.float32),
            pltpu.VMEM((_K, d), jnp.float32),
            pltpu.SemaphoreType.DMA,
            pltpu.SemaphoreType.DMA,
            pltpu.SemaphoreType.DMA,
            pltpu.SemaphoreType.DMA,
            pltpu.SemaphoreType.DMA,
            pltpu.SemaphoreType.DMA,
        ],
    )
    def kern(idx_hbm, table_hbm, out_hbm, idx_v,
             buf_a, buf_b, buf_c, ga, gb, gc, sa, sb, sc):
        wid = lax.axis_index("s") * info.num_cores + lax.axis_index("c")
        base = wid * b_per_w
        pltpu.sync_copy(idx_hbm.at[wid], idx_v)

        bufs = (buf_a, buf_b, buf_c)
        gsems = (ga, gb, gc)
        ssems = (sa, sb, sc)

        def gather(c, t):
            pltpu.async_copy(
                table_hbm.at[idx_v.at[c]], bufs[t], gsems[t]
            )

        def gwait(t):
            pltpu.make_async_copy(
                table_hbm.at[pl.ds(0, _K)], bufs[t], gsems[t]
            ).wait()

        def scatter(c, t):
            pltpu.async_copy(
                bufs[t], out_hbm.at[pl.ds(base + c * _K, _K)], ssems[t]
            )

        def swait(t):
            pltpu.make_async_copy(
                bufs[t], out_hbm.at[pl.ds(0, _K)], ssems[t]
            ).wait()

        gather(0, 0)
        gather(1, 1)
        gwait(0)
        scatter(0, 0)
        gather(2, 2)

        def body(i, carry):
            c = 3 * i + 1
            for t in range(3):
                bt = (1 + t) % 3
                nxt = t % 3
                gwait(bt)
                scatter(c + t, bt)
                swait(nxt)
                gather(c + t + 2, nxt)
            return carry

        lax.fori_loop(0, n_body, body, 0)

        cl = n_chunks - 3
        gwait(1)
        scatter(cl, 1)
        swait(0)
        gather(cl + 2, 0)
        gwait(2)
        scatter(cl + 1, 2)
        gwait(0)
        scatter(cl + 2, 0)
        swait(1)
        swait(2)
        swait(0)

    return kern, nw, n_chunks


def kernel(indices, table):
    b, t = indices.shape
    n_lookups = b * t
    kern, nw, n_chunks = _make_kernel(n_lookups, table.shape[1])
    idx = indices.reshape(nw, n_chunks, _K).astype(jnp.int32)
    out = kern(idx, table)
    return out.reshape(b, t, table.shape[1])

# --- scband reference (transcript-rebuilt; emitter-appended) ---
"""Pipeline reference for scband-bigram-language-model-50096498541287 (READ-ONLY COPY).

The authoritative reference and input builder live on the scoring server;
editing this copy changes nothing except your own understanding.
"""

import jax, jax.numpy as jnp
import numpy as np

VOCAB_S = 8192
BATCH = 4
SEQ = 2048

def setup_inputs(seed: int = 0) -> dict:
    key = jax.random.key(seed)
    k_idx, k_tab = jax.random.split(key)
    indices = jax.random.randint(k_idx, (BATCH, SEQ), 0, VOCAB_S, dtype=jnp.int64 if jax.config.jax_enable_x64 else jnp.int32)
    table = jax.random.normal(k_tab, (VOCAB_S, VOCAB_S), dtype=jnp.float32)
    return {"indices": indices, "table": table}

def reference(indices, table):
    # nn.Embedding lookup: embeddings[b, t, :] = table[indices[b, t], :]
    embeddings = jnp.take(table, indices, axis=0)
    # forward returns the embeddings (logits over vocab per position)
    return embeddings

if __name__ == "__main__":
    import jax
    _d = setup_inputs()
    print(jax.jit(kernel)(*tuple(_d.values())))

</pallas_src>

<mosaic_0001>
#map = affine_map<(d0, d1) -> (0, 0, 0)>
#map1 = affine_map<(d0, d1) -> (0, 0)>
module attributes {stable_mosaic.version = 14 : i64} {
  func.func @kern(%arg0: i32, %arg1: i32, %arg2: memref<32x64x4xi32, #tpu.memory_space<hbm>>, %arg3: memref<8192x8192xf32, #tpu.memory_space<hbm>>, %arg4: memref<8192x8192xf32, #tpu.memory_space<hbm>>, %arg5: memref<64x4xi32, #tpu.memory_space<vmem>>, %arg6: memref<4x8192xf32, #tpu.memory_space<vmem>>, %arg7: memref<4x8192xf32, #tpu.memory_space<vmem>>, %arg8: memref<4x8192xf32, #tpu.memory_space<vmem>>, %arg9: memref<!tpu.dma_semaphore, #tpu.memory_space<semaphore_mem>>, %arg10: memref<!tpu.dma_semaphore, #tpu.memory_space<semaphore_mem>>, %arg11: memref<!tpu.dma_semaphore, #tpu.memory_space<semaphore_mem>>, %arg12: memref<!tpu.dma_semaphore, #tpu.memory_space<semaphore_mem>>, %arg13: memref<!tpu.dma_semaphore, #tpu.memory_space<semaphore_mem>>, %arg14: memref<!tpu.dma_semaphore, #tpu.memory_space<semaphore_mem>>) attributes {dimension_semantics = [#tpu.dimension_semantics<core_parallel>, #tpu.dimension_semantics<subcore_parallel>], iteration_bounds = array<i64: 2, 16>, scalar_prefetch = 0 : i64, scratch_operands = 10 : i64, tpu.core_type = #tpu.core_type<sc_vector_subcore>, window_params = [{transform_indices = #map}, {transform_indices = #map1}, {transform_indices = #map1}]} {
    %mul3A = arith.constant 2 : i32
    %mul3A_0 = arith.muli %arg1, %mul3A : i32
    %add3A = arith.addi %mul3A_0, %arg0 : i32
    %mul3A_1 = arith.constant 256 : i32
    %mul3A_2 = arith.muli %add3A, %mul3A_1 : i32
    "tpu.region"() ({
      %run_scoped3A = tpu.sem_alloc : memref<!tpu.dma_semaphore, #tpu.memory_space<semaphore_mem>>
      %dma_start3A_106 = arith.constant 0 : i32
      %dma_start3A_107 = arith.constant 0 : i32
      %dma_start3A_108 = tpu.memref_slice %arg2[%add3A, %dma_start3A_106, %dma_start3A_107] : memref<32x64x4xi32, #tpu.memory_space<hbm>> -> memref<1x64x4xi32, #tpu.memory_space<hbm>>
      %dma_start3A_109 = tpu.memref_squeeze %dma_start3A_108 : memref<1x64x4xi32, #tpu.memory_space<hbm>> -> memref<64x4xi32, #tpu.memory_space<hbm>>
      %dma_start3A_110 = arith.constant 0 : i32
      %dma_start3A_111 = arith.constant 0 : i32
      %dma_start3A_112 = tpu.memref_slice %arg2[%add3A, %dma_start3A_110, %dma_start3A_111] : memref<32x64x4xi32, #tpu.memory_space<hbm>> -> memref<1x64x4xi32, #tpu.memory_space<hbm>>
      %dma_start3A_113 = tpu.memref_squeeze %dma_start3A_112 : memref<1x64x4xi32, #tpu.memory_space<hbm>> -> memref<64x4xi32, #tpu.memory_space<hbm>>
      tpu.enqueue_dma source(%dma_start3A_113 : memref<64x4xi32, #tpu.memory_space<hbm>>) target(%arg5 : memref<64x4xi32, #tpu.memory_space<vmem>>) target_semaphore(%run_scoped3A : memref<!tpu.dma_semaphore, #tpu.memory_space<semaphore_mem>>)
      %dma_wait3A_114 = arith.constant 0 : i32
      %dma_wait3A_115 = arith.constant 0 : i32
      %dma_wait3A_116 = tpu.memref_slice %arg2[%add3A, %dma_wait3A_114, %dma_wait3A_115] : memref<32x64x4xi32, #tpu.memory_space<hbm>> -> memref<1x64x4xi32, #tpu.memory_space<hbm>>
      %dma_wait3A_117 = tpu.memref_squeeze %dma_wait3A_116 : memref<1x64x4xi32, #tpu.memory_space<hbm>> -> memref<64x4xi32, #tpu.memory_space<hbm>>
      %dma_wait3A_118 = arith.constant 0 : i32
      %dma_wait3A_119 = arith.constant 0 : i32
      %dma_wait3A_120 = tpu.memref_slice %arg2[%add3A, %dma_wait3A_118, %dma_wait3A_119] : memref<32x64x4xi32, #tpu.memory_space<hbm>> -> memref<1x64x4xi32, #tpu.memory_space<hbm>>
      %dma_wait3A_121 = tpu.memref_squeeze %dma_wait3A_120 : memref<1x64x4xi32, #tpu.memory_space<hbm>> -> memref<64x4xi32, #tpu.memory_space<hbm>>
      tpu.wait_dma2 semaphore(%run_scoped3A : memref<!tpu.dma_semaphore, #tpu.memory_space<semaphore_mem>>) src(%dma_wait3A_121 : memref<64x4xi32, #tpu.memory_space<hbm>>) dst(%arg5 : memref<64x4xi32, #tpu.memory_space<vmem>>)
      tpu.yield
    }) : () -> ()
    %dma_start3A = arith.constant 0 : i32
    %dma_start3A_3 = arith.constant 0 : i32
    %dma_start3A_4 = tpu.memref_slice %arg5[%dma_start3A, %dma_start3A_3] : memref<64x4xi32, #tpu.memory_space<vmem>> -> memref<1x4xi32, #tpu.memory_space<vmem>>
    %dma_start3A_5 = tpu.memref_squeeze %dma_start3A_4 : memref<1x4xi32, #tpu.memory_space<vmem>> -> memref<4xi32, #tpu.memory_space<vmem>>
    %dma_start3A_6 = arith.constant 0 : i32
    %dma_start3A_7 = arith.constant 0 : i32
    %dma_start3A_8 = tpu.memref_slice %arg3[%dma_start3A_6, %dma_start3A_7] : memref<8192x8192xf32, #tpu.memory_space<hbm>> -> memref<8192x8192xf32, #tpu.memory_space<hbm>>
    tpu.enqueue_indirect_dma source(%dma_start3A_8 : memref<8192x8192xf32, #tpu.memory_space<hbm>>) target(%arg6 : memref<4x8192xf32, #tpu.memory_space<vmem>>) offsets(%dma_start3A_5 : memref<4xi32, #tpu.memory_space<vmem>>) semaphore(%arg9 : memref<!tpu.dma_semaphore, #tpu.memory_space<semaphore_mem>>)
    %dma_start3A_9 = arith.constant 1 : i32
    %dma_start3A_10 = arith.constant 0 : i32
    %dma_start3A_11 = tpu.memref_slice %arg5[%dma_start3A_9, %dma_start3A_10] : memref<64x4xi32, #tpu.memory_space<vmem>> -> memref<1x4xi32, #tpu.memory_space<vmem>>
    %dma_start3A_12 = tpu.memref_squeeze %dma_start3A_11 : memref<1x4xi32, #tpu.memory_space<vmem>> -> memref<4xi32, #tpu.memory_space<vmem>>
    %dma_start3A_13 = arith.constant 0 : i32
    %dma_start3A_14 = arith.constant 0 : i32
    %dma_start3A_15 = tpu.memref_slice %arg3[%dma_start3A_13, %dma_start3A_14] : memref<8192x8192xf32, #tpu.memory_space<hbm>> -> memref<8192x8192xf32, #tpu.memory_space<hbm>>
    tpu.enqueue_indirect_dma source(%dma_start3A_15 : memref<8192x8192xf32, #tpu.memory_space<hbm>>) target(%arg7 : memref<4x8192xf32, #tpu.memory_space<vmem>>) offsets(%dma_start3A_12 : memref<4xi32, #tpu.memory_space<vmem>>) semaphore(%arg10 : memref<!tpu.dma_semaphore, #tpu.memory_space<semaphore_mem>>)
    %dma_wait3A = arith.constant 0 : i32
    %dma_wait3A_16 = arith.constant 0 : i32
    %dma_wait3A_17 = tpu.memref_slice %arg3[%dma_wait3A, %dma_wait3A_16] : memref<8192x8192xf32, #tpu.memory_space<hbm>> -> memref<4x8192xf32, #tpu.memory_space<hbm>>
    %dma_wait3A_18 = arith.constant 0 : i32
    %dma_wait3A_19 = arith.constant 0 : i32
    %dma_wait3A_20 = tpu.memref_slice %arg3[%dma_wait3A_18, %dma_wait3A_19] : memref<8192x8192xf32, #tpu.memory_space<hbm>> -> memref<4x8192xf32, #tpu.memory_space<hbm>>
    tpu.wait_dma2 semaphore(%arg9 : memref<!tpu.dma_semaphore, #tpu.memory_space<semaphore_mem>>) src(%dma_wait3A_20 : memref<4x8192xf32, #tpu.memory_space<hbm>>) dst(%arg6 : memref<4x8192xf32, #tpu.memory_space<vmem>>)
    %add3A_21 = arith.constant 0 : i32
    %add3A_22 = arith.addi %mul3A_2, %add3A_21 : i32
    %dma_start3A_23 = arith.constant 0 : i32
    %dma_start3A_24 = tpu.memref_slice %arg4[%add3A_22, %dma_start3A_23] : memref<8192x8192xf32, #tpu.memory_space<hbm>> -> memref<4x8192xf32, #tpu.memory_space<hbm>>
    %dma_start3A_25 = arith.constant 0 : i32
    %dma_start3A_26 = tpu.memref_slice %arg4[%add3A_22, %dma_start3A_25] : memref<8192x8192xf32, #tpu.memory_space<hbm>> -> memref<4x8192xf32, #tpu.memory_space<hbm>>
    tpu.enqueue_dma source(%arg6 : memref<4x8192xf32, #tpu.memory_space<vmem>>) target(%dma_start3A_26 : memref<4x8192xf32, #tpu.memory_space<hbm>>) target_semaphore(%arg12 : memref<!tpu.dma_semaphore, #tpu.memory_space<semaphore_mem>>)
    %dma_start3A_27 = arith.constant 2 : i32
    %dma_start3A_28 = arith.constant 0 : i32
    %dma_start3A_29 = tpu.memref_slice %arg5[%dma_start3A_27, %dma_start3A_28] : memref<64x4xi32, #tpu.memory_space<vmem>> -> memref<1x4xi32, #tpu.memory_space<vmem>>
    %dma_start3A_30 = tpu.memref_squeeze %dma_start3A_29 : memref<1x4xi32, #tpu.memory_space<vmem>> -> memref<4xi32, #tpu.memory_space<vmem>>
    %dma_start3A_31 = arith.constant 0 : i32
    %dma_start3A_32 = arith.constant 0 : i32
    %dma_start3A_33 = tpu.memref_slice %arg3[%dma_start3A_31, %dma_start3A_32] : memref<8192x8192xf32, #tpu.memory_space<hbm>> -> memref<8192x8192xf32, #tpu.memory_space<hbm>>
    tpu.enqueue_indirect_dma source(%dma_start3A_33 : memref<8192x8192xf32, #tpu.memory_space<hbm>>) target(%arg8 : memref<4x8192xf32, #tpu.memory_space<vmem>>) offsets(%dma_start3A_30 : memref<4xi32, #tpu.memory_space<vmem>>) semaphore(%arg11 : memref<!tpu.dma_semaphore, #tpu.memory_space<semaphore_mem>>)
    %scan3A = arith.constant 0 : i32
    %scan3A_34 = arith.constant 0 : i32
    %scan3A_35 = arith.constant 20 : i32
    %scan3A_36 = arith.addi %scan3A_34, %scan3A_35 : i32
    %scan3A_37 = arith.constant 1 : i32
    scf.for %scan3A_106 = %scan3A_34 to %scan3A_36 step %scan3A_37  : i32 {
      %mul3A_107 = arith.constant 3 : i32
      %mul3A_108 = arith.muli %mul3A_107, %scan3A_106 : i32
      %add3A_109 = arith.constant 1 : i32
      %add3A_110 = arith.addi %mul3A_108, %add3A_109 : i32
      %dma_wait3A_111 = arith.constant 0 : i32
      %dma_wait3A_112 = arith.constant 0 : i32
      %dma_wait3A_113 = tpu.memref_slice %arg3[%dma_wait3A_111, %dma_wait3A_112] : memref<8192x8192xf32, #tpu.memory_space<hbm>> -> memref<4x8192xf32, #tpu.memory_space<hbm>>
      %dma_wait3A_114 = arith.constant 0 : i32
      %dma_wait3A_115 = arith.constant 0 : i32
      %dma_wait3A_116 = tpu.memref_slice %arg3[%dma_wait3A_114, %dma_wait3A_115] : memref<8192x8192xf32, #tpu.memory_space<hbm>> -> memref<4x8192xf32, #tpu.memory_space<hbm>>
      tpu.wait_dma2 semaphore(%arg10 : memref<!tpu.dma_semaphore, #tpu.memory_space<semaphore_mem>>) src(%dma_wait3A_116 : memref<4x8192xf32, #tpu.memory_space<hbm>>) dst(%arg7 : memref<4x8192xf32, #tpu.memory_space<vmem>>)
      %add3A_117 = arith.constant 0 : i32
      %add3A_118 = arith.addi %add3A_110, %add3A_117 : i32
      %mul3A_119 = arith.constant 4 : i32
      %mul3A_120 = arith.muli %add3A_118, %mul3A_119 : i32
      %add3A_121 = arith.addi %mul3A_2, %mul3A_120 : i32
      %dma_start3A_122 = arith.constant 0 : i32
      %dma_start3A_123 = tpu.memref_slice %arg4[%add3A_121, %dma_start3A_122] : memref<8192x8192xf32, #tpu.memory_space<hbm>> -> memref<4x8192xf32, #tpu.memory_space<hbm>>
      %dma_start3A_124 = arith.constant 0 : i32
      %dma_start3A_125 = tpu.memref_slice %arg4[%add3A_121, %dma_start3A_124] : memref<8192x8192xf32, #tpu.memory_space<hbm>> -> memref<4x8192xf32, #tpu.memory_space<hbm>>
      tpu.enqueue_dma source(%arg7 : memref<4x8192xf32, #tpu.memory_space<vmem>>) target(%dma_start3A_125 : memref<4x8192xf32, #tpu.memory_space<hbm>>) target_semaphore(%arg13 : memref<!tpu.dma_semaphore, #tpu.memory_space<semaphore_mem>>)
      %dma_wait3A_126 = arith.constant 0 : i32
      %dma_wait3A_127 = arith.constant 0 : i32
      %dma_wait3A_128 = tpu.memref_slice %arg4[%dma_wait3A_126, %dma_wait3A_127] : memref<8192x8192xf32, #tpu.memory_space<hbm>> -> memref<4x8192xf32, #tpu.memory_space<hbm>>
      %dma_wait3A_129 = arith.constant 0 : i32
      %dma_wait3A_130 = arith.constant 0 : i32
      %dma_wait3A_131 = tpu.memref_slice %arg4[%dma_wait3A_129, %dma_wait3A_130] : memref<8192x8192xf32, #tpu.memory_space<hbm>> -> memref<4x8192xf32, #tpu.memory_space<hbm>>
      tpu.wait_dma2 semaphore(%arg12 : memref<!tpu.dma_semaphore, #tpu.memory_space<semaphore_mem>>) src(%arg6 : memref<4x8192xf32, #tpu.memory_space<vmem>>) dst(%dma_wait3A_131 : memref<4x8192xf32, #tpu.memory_space<hbm>>)
      %add3A_132 = arith.constant 0 : i32
      %add3A_133 = arith.addi %add3A_110, %add3A_132 : i32
      %add3A_134 = arith.constant 2 : i32
      %add3A_135 = arith.addi %add3A_133, %add3A_134 : i32
      %dma_start3A_136 = arith.constant 0 : i32
      %dma_start3A_137 = tpu.memref_slice %arg5[%add3A_135, %dma_start3A_136] : memref<64x4xi32, #tpu.memory_space<vmem>> -> memref<1x4xi32, #tpu.memory_space<vmem>>
      %dma_start3A_138 = tpu.memref_squeeze %dma_start3A_137 : memref<1x4xi32, #tpu.memory_space<vmem>> -> memref<4xi32, #tpu.memory_space<vmem>>
      %dma_start3A_139 = arith.constant 0 : i32
      %dma_start3A_140 = arith.constant 0 : i32
      %dma_start3A_141 = tpu.memref_slice %arg3[%dma_start3A_139, %dma_start3A_140] : memref<8192x8192xf32, #tpu.memory_space<hbm>> -> memref<8192x8192xf32, #tpu.memory_space<hbm>>
      tpu.enqueue_indirect_dma source(%dma_start3A_141 : memref<8192x8192xf32, #tpu.memory_space<hbm>>) target(%arg6 : memref<4x8192xf32, #tpu.memory_space<vmem>>) offsets(%dma_start3A_138 : memref<4xi32, #tpu.memory_space<vmem>>) semaphore(%arg9 : memref<!tpu.dma_semaphore, #tpu.memory_space<semaphore_mem>>)
      %dma_wait3A_142 = arith.constant 0 : i32
      %dma_wait3A_143 = arith.constant 0 : i32
      %dma_wait3A_144 = tpu.memref_slice %arg3[%dma_wait3A_142, %dma_wait3A_143] : memref<8192x8192xf32, #tpu.memory_space<hbm>> -> memref<4x8192xf32, #tpu.memory_space<hbm>>
      %dma_wait3A_145 = arith.constant 0 : i32
      %dma_wait3A_146 = arith.constant 0 : i32
      %dma_wait3A_147 = tpu.memref_slice %arg3[%dma_wait3A_145, %dma_wait3A_146] : memref<8192x8192xf32, #tpu.memory_space<hbm>> -> memref<4x8192xf32, #tpu.memory_space<hbm>>
      tpu.wait_dma2 semaphore(%arg11 : memref<!tpu.dma_semaphore, #tpu.memory_space<semaphore_mem>>) src(%dma_wait3A_147 : memref<4x8192xf32, #tpu.memory_space<hbm>>) dst(%arg8 : memref<4x8192xf32, #tpu.memory_space<vmem>>)
      %add3A_148 = arith.constant 1 : i32
      %add3A_149 = arith.addi %add3A_110, %add3A_148 : i32
      %mul3A_150 = arith.constant 4 : i32
      %mul3A_151 = arith.muli %add3A_149, %mul3A_150 : i32
      %add3A_152 = arith.addi %mul3A_2, %mul3A_151 : i32
      %dma_start3A_153 = arith.constant 0 : i32
      %dma_start3A_154 = tpu.memref_slice %arg4[%add3A_152, %dma_start3A_153] : memref<8192x8192xf32, #tpu.memory_space<hbm>> -> memref<4x8192xf32, #tpu.memory_space<hbm>>
      %dma_start3A_155 = arith.constant 0 : i32
      %dma_start3A_156 = tpu.memref_slice %arg4[%add3A_152, %dma_start3A_155] : memref<8192x8192xf32, #tpu.memory_space<hbm>> -> memref<4x8192xf32, #tpu.memory_space<hbm>>
      tpu.enqueue_dma source(%arg8 : memref<4x8192xf32, #tpu.memory_space<vmem>>) target(%dma_start3A_156 : memref<4x8192xf32, #tpu.memory_space<hbm>>) target_semaphore(%arg14 : memref<!tpu.dma_semaphore, #tpu.memory_space<semaphore_mem>>)
      %dma_wait3A_157 = arith.constant 0 : i32
      %dma_wait3A_158 = arith.constant 0 : i32
      %dma_wait3A_159 = tpu.memref_slice %arg4[%dma_wait3A_157, %dma_wait3A_158] : memref<8192x8192xf32, #tpu.memory_space<hbm>> -> memref<4x8192xf32, #tpu.memory_space<hbm>>
      %dma_wait3A_160 = arith.constant 0 : i32
      %dma_wait3A_161 = arith.constant 0 : i32
      %dma_wait3A_162 = tpu.memref_slice %arg4[%dma_wait3A_160, %dma_wait3A_161] : memref<8192x8192xf32, #tpu.memory_space<hbm>> -> memref<4x8192xf32, #tpu.memory_space<hbm>>
      tpu.wait_dma2 semaphore(%arg13 : memref<!tpu.dma_semaphore, #tpu.memory_space<semaphore_mem>>) src(%arg7 : memref<4x8192xf32, #tpu.memory_space<vmem>>) dst(%dma_wait3A_162 : memref<4x8192xf32, #tpu.memory_space<hbm>>)
      %add3A_163 = arith.constant 1 : i32
      %add3A_164 = arith.addi %add3A_110, %add3A_163 : i32
      %add3A_165 = arith.constant 2 : i32
      %add3A_166 = arith.addi %add3A_164, %add3A_165 : i32
      %dma_start3A_167 = arith.constant 0 : i32
      %dma_start3A_168 = tpu.memref_slice %arg5[%add3A_166, %dma_start3A_167] : memref<64x4xi32, #tpu.memory_space<vmem>> -> memref<1x4xi32, #tpu.memory_space<vmem>>
      %dma_start3A_169 = tpu.memref_squeeze %dma_start3A_168 : memref<1x4xi32, #tpu.memory_space<vmem>> -> memref<4xi32, #tpu.memory_space<vmem>>
      %dma_start3A_170 = arith.constant 0 : i32
      %dma_start3A_171 = arith.constant 0 : i32
      %dma_start3A_172 = tpu.memref_slice %arg3[%dma_start3A_170, %dma_start3A_171] : memref<8192x8192xf32, #tpu.memory_space<hbm>> -> memref<8192x8192xf32, #tpu.memory_space<hbm>>
      tpu.enqueue_indirect_dma source(%dma_start3A_172 : memref<8192x8192xf32, #tpu.memory_space<hbm>>) target(%arg7 : memref<4x8192xf32, #tpu.memory_space<vmem>>) offsets(%dma_start3A_169 : memref<4xi32, #tpu.memory_space<vmem>>) semaphore(%arg10 : memref<!tpu.dma_semaphore, #tpu.memory_space<semaphore_mem>>)
      %dma_wait3A_173 = arith.constant 0 : i32
      %dma_wait3A_174 = arith.constant 0 : i32
      %dma_wait3A_175 = tpu.memref_slice %arg3[%dma_wait3A_173, %dma_wait3A_174] : memref<8192x8192xf32, #tpu.memory_space<hbm>> -> memref<4x8192xf32, #tpu.memory_space<hbm>>
      %dma_wait3A_176 = arith.constant 0 : i32
      %dma_wait3A_177 = arith.constant 0 : i32
      %dma_wait3A_178 = tpu.memref_slice %arg3[%dma_wait3A_176, %dma_wait3A_177] : memref<8192x8192xf32, #tpu.memory_space<hbm>> -> memref<4x8192xf32, #tpu.memory_space<hbm>>
      tpu.wait_dma2 semaphore(%arg9 : memref<!tpu.dma_semaphore, #tpu.memory_space<semaphore_mem>>) src(%dma_wait3A_178 : memref<4x8192xf32, #tpu.memory_space<hbm>>) dst(%arg6 : memref<4x8192xf32, #tpu.memory_space<vmem>>)
      %add3A_179 = arith.constant 2 : i32
      %add3A_180 = arith.addi %add3A_110, %add3A_179 : i32
      %mul3A_181 = arith.constant 4 : i32
      %mul3A_182 = arith.muli %add3A_180, %mul3A_181 : i32
      %add3A_183 = arith.addi %mul3A_2, %mul3A_182 : i32
      %dma_start3A_184 = arith.constant 0 : i32
      %dma_start3A_185 = tpu.memref_slice %arg4[%add3A_183, %dma_start3A_184] : memref<8192x8192xf32, #tpu.memory_space<hbm>> -> memref<4x8192xf32, #tpu.memory_space<hbm>>
      %dma_start3A_186 = arith.constant 0 : i32
      %dma_start3A_187 = tpu.memref_slice %arg4[%add3A_183, %dma_start3A_186] : memref<8192x8192xf32, #tpu.memory_space<hbm>> -> memref<4x8192xf32, #tpu.memory_space<hbm>>
      tpu.enqueue_dma source(%arg6 : memref<4x8192xf32, #tpu.memory_space<vmem>>) target(%dma_start3A_187 : memref<4x8192xf32, #tpu.memory_space<hbm>>) target_semaphore(%arg12 : memref<!tpu.dma_semaphore, #tpu.memory_space<semaphore_mem>>)
      %dma_wait3A_188 = arith.constant 0 : i32
      %dma_wait3A_189 = arith.constant 0 : i32
      %dma_wait3A_190 = tpu.memref_slice %arg4[%dma_wait3A_188, %dma_wait3A_189] : memref<8192x8192xf32, #tpu.memory_space<hbm>> -> memref<4x8192xf32, #tpu.memory_space<hbm>>
      %dma_wait3A_191 = arith.constant 0 : i32
      %dma_wait3A_192 = arith.constant 0 : i32
      %dma_wait3A_193 = tpu.memref_slice %arg4[%dma_wait3A_191, %dma_wait3A_192] : memref<8192x8192xf32, #tpu.memory_space<hbm>> -> memref<4x8192xf32, #tpu.memory_space<hbm>>
      tpu.wait_dma2 semaphore(%arg14 : memref<!tpu.dma_semaphore, #tpu.memory_space<semaphore_mem>>) src(%arg8 : memref<4x8192xf32, #tpu.memory_space<vmem>>) dst(%dma_wait3A_193 : memref<4x8192xf32, #tpu.memory_space<hbm>>)
      %add3A_194 = arith.constant 2 : i32
      %add3A_195 = arith.addi %add3A_110, %add3A_194 : i32
      %add3A_196 = arith.constant 2 : i32
      %add3A_197 = arith.addi %add3A_195, %add3A_196 : i32
      %dma_start3A_198 = arith.constant 0 : i32
      %dma_start3A_199 = tpu.memref_slice %arg5[%add3A_197, %dma_start3A_198] : memref<64x4xi32, #tpu.memory_space<vmem>> -> memref<1x4xi32, #tpu.memory_space<vmem>>
      %dma_start3A_200 = tpu.memref_squeeze %dma_start3A_199 : memref<1x4xi32, #tpu.memory_space<vmem>> -> memref<4xi32, #tpu.memory_space<vmem>>
      %dma_start3A_201 = arith.constant 0 : i32
      %dma_start3A_202 = arith.constant 0 : i32
      %dma_start3A_203 = tpu.memref_slice %arg3[%dma_start3A_201, %dma_start3A_202] : memref<8192x8192xf32, #tpu.memory_space<hbm>> -> memref<8192x8192xf32, #tpu.memory_space<hbm>>
      tpu.enqueue_indirect_dma source(%dma_start3A_203 : memref<8192x8192xf32, #tpu.memory_space<hbm>>) target(%arg8 : memref<4x8192xf32, #tpu.memory_space<vmem>>) offsets(%dma_start3A_200 : memref<4xi32, #tpu.memory_space<vmem>>) semaphore(%arg11 : memref<!tpu.dma_semaphore, #tpu.memory_space<semaphore_mem>>)
    }
    %scan3A_38 = arith.constant 20 : i32
    %dma_wait3A_39 = arith.constant 0 : i32
    %dma_wait3A_40 = arith.constant 0 : i32
    %dma_wait3A_41 = tpu.memref_slice %arg3[%dma_wait3A_39, %dma_wait3A_40] : memref<8192x8192xf32, #tpu.memory_space<hbm>> -> memref<4x8192xf32, #tpu.memory_space<hbm>>
    %dma_wait3A_42 = arith.constant 0 : i32
    %dma_wait3A_43 = arith.constant 0 : i32
    %dma_wait3A_44 = tpu.memref_slice %arg3[%dma_wait3A_42, %dma_wait3A_43] : memref<8192x8192xf32, #tpu.memory_space<hbm>> -> memref<4x8192xf32, #tpu.memory_space<hbm>>
    tpu.wait_dma2 semaphore(%arg10 : memref<!tpu.dma_semaphore, #tpu.memory_space<semaphore_mem>>) src(%dma_wait3A_44 : memref<4x8192xf32, #tpu.memory_space<hbm>>) dst(%arg7 : memref<4x8192xf32, #tpu.memory_space<vmem>>)
    %add3A_45 = arith.constant 244 : i32
    %add3A_46 = arith.addi %mul3A_2, %add3A_45 : i32
    %dma_start3A_47 = arith.constant 0 : i32
    %dma_start3A_48 = tpu.memref_slice %arg4[%add3A_46, %dma_start3A_47] : memref<8192x8192xf32, #tpu.memory_space<hbm>> -> memref<4x8192xf32, #tpu.memory_space<hbm>>
    %dma_start3A_49 = arith.constant 0 : i32
    %dma_start3A_50 = tpu.memref_slice %arg4[%add3A_46, %dma_start3A_49] : memref<8192x8192xf32, #tpu.memory_space<hbm>> -> memref<4x8192xf32, #tpu.memory_space<hbm>>
    tpu.enqueue_dma source(%arg7 : memref<4x8192xf32, #tpu.memory_space<vmem>>) target(%dma_start3A_50 : memref<4x8192xf32, #tpu.memory_space<hbm>>) target_semaphore(%arg13 : memref<!tpu.dma_semaphore, #tpu.memory_space<semaphore_mem>>)
    %dma_wait3A_51 = arith.constant 0 : i32
    %dma_wait3A_52 = arith.constant 0 : i32
    %dma_wait3A_53 = tpu.memref_slice %arg4[%dma_wait3A_51, %dma_wait3A_52] : memref<8192x8192xf32, #tpu.memory_space<hbm>> -> memref<4x8192xf32, #tpu.memory_space<hbm>>
    %dma_wait3A_54 = arith.constant 0 : i32
    %dma_wait3A_55 = arith.constant 0 : i32
    %dma_wait3A_56 = tpu.memref_slice %arg4[%dma_wait3A_54, %dma_wait3A_55] : memref<8192x8192xf32, #tpu.memory_space<hbm>> -> memref<4x8192xf32, #tpu.memory_space<hbm>>
    tpu.wait_dma2 semaphore(%arg12 : memref<!tpu.dma_semaphore, #tpu.memory_space<semaphore_mem>>) src(%arg6 : memref<4x8192xf32, #tpu.memory_space<vmem>>) dst(%dma_wait3A_56 : memref<4x8192xf32, #tpu.memory_space<hbm>>)
    %dma_start3A_57 = arith.constant 63 : i32
    %dma_start3A_58 = arith.constant 0 : i32
    %dma_start3A_59 = tpu.memref_slice %arg5[%dma_start3A_57, %dma_start3A_58] : memref<64x4xi32, #tpu.memory_space<vmem>> -> memref<1x4xi32, #tpu.memory_space<vmem>>
    %dma_start3A_60 = tpu.memref_squeeze %dma_start3A_59 : memref<1x4xi32, #tpu.memory_space<vmem>> -> memref<4xi32, #tpu.memory_space<vmem>>
    %dma_start3A_61 = arith.constant 0 : i32
    %dma_start3A_62 = arith.constant 0 : i32
    %dma_start3A_63 = tpu.memref_slice %arg3[%dma_start3A_61, %dma_start3A_62] : memref<8192x8192xf32, #tpu.memory_space<hbm>> -> memref<8192x8192xf32, #tpu.memory_space<hbm>>
    tpu.enqueue_indirect_dma source(%dma_start3A_63 : memref<8192x8192xf32, #tpu.memory_space<hbm>>) target(%arg6 : memref<4x8192xf32, #tpu.memory_space<vmem>>) offsets(%dma_start3A_60 : memref<4xi32, #tpu.memory_space<vmem>>) semaphore(%arg9 : memref<!tpu.dma_semaphore, #tpu.memory_space<semaphore_mem>>)
    %dma_wait3A_64 = arith.constant 0 : i32
    %dma_wait3A_65 = arith.constant 0 : i32
    %dma_wait3A_66 = tpu.memref_slice %arg3[%dma_wait3A_64, %dma_wait3A_65] : memref<8192x8192xf32, #tpu.memory_space<hbm>> -> memref<4x8192xf32, #tpu.memory_space<hbm>>
    %dma_wait3A_67 = arith.constant 0 : i32
    %dma_wait3A_68 = arith.constant 0 : i32
    %dma_wait3A_69 = tpu.memref_slice %arg3[%dma_wait3A_67, %dma_wait3A_68] : memref<8192x8192xf32, #tpu.memory_space<hbm>> -> memref<4x8192xf32, #tpu.memory_space<hbm>>
    tpu.wait_dma2 semaphore(%arg11 : memref<!tpu.dma_semaphore, #tpu.memory_space<semaphore_mem>>) src(%dma_wait3A_69 : memref<4x8192xf32, #tpu.memory_space<hbm>>) dst(%arg8 : memref<4x8192xf32, #tpu.memory_space<vmem>>)
    %add3A_70 = arith.constant 248 : i32
    %add3A_71 = arith.addi %mul3A_2, %add3A_70 : i32
    %dma_start3A_72 = arith.constant 0 : i32
    %dma_start3A_73 = tpu.memref_slice %arg4[%add3A_71, %dma_start3A_72] : memref<8192x8192xf32, #tpu.memory_space<hbm>> -> memref<4x8192xf32, #tpu.memory_space<hbm>>
    %dma_start3A_74 = arith.constant 0 : i32
    %dma_start3A_75 = tpu.memref_slice %arg4[%add3A_71, %dma_start3A_74] : memref<8192x8192xf32, #tpu.memory_space<hbm>> -> memref<4x8192xf32, #tpu.memory_space<hbm>>
    tpu.enqueue_dma source(%arg8 : memref<4x8192xf32, #tpu.memory_space<vmem>>) target(%dma_start3A_75 : memref<4x8192xf32, #tpu.memory_space<hbm>>) target_semaphore(%arg14 : memref<!tpu.dma_semaphore, #tpu.memory_space<semaphore_mem>>)
    %dma_wait3A_76 = arith.constant 0 : i32
    %dma_wait3A_77 = arith.constant 0 : i32
    %dma_wait3A_78 = tpu.memref_slice %arg3[%dma_wait3A_76, %dma_wait3A_77] : memref<8192x8192xf32, #tpu.memory_space<hbm>> -> memref<4x8192xf32, #tpu.memory_space<hbm>>
    %dma_wait3A_79 = arith.constant 0 : i32
    %dma_wait3A_80 = arith.constant 0 : i32
    %dma_wait3A_81 = tpu.memref_slice %arg3[%dma_wait3A_79, %dma_wait3A_80] : memref<8192x8192xf32, #tpu.memory_space<hbm>> -> memref<4x8192xf32, #tpu.memory_space<hbm>>
    tpu.wait_dma2 semaphore(%arg9 : memref<!tpu.dma_semaphore, #tpu.memory_space<semaphore_mem>>) src(%dma_wait3A_81 : memref<4x8192xf32, #tpu.memory_space<hbm>>) dst(%arg6 : memref<4x8192xf32, #tpu.memory_space<vmem>>)
    %add3A_82 = arith.constant 252 : i32
    %add3A_83 = arith.addi %mul3A_2, %add3A_82 : i32
    %dma_start3A_84 = arith.constant 0 : i32
    %dma_start3A_85 = tpu.memref_slice %arg4[%add3A_83, %dma_start3A_84] : memref<8192x8192xf32, #tpu.memory_space<hbm>> -> memref<4x8192xf32, #tpu.memory_space<hbm>>
    %dma_start3A_86 = arith.constant 0 : i32
    %dma_start3A_87 = tpu.memref_slice %arg4[%add3A_83, %dma_start3A_86] : memref<8192x8192xf32, #tpu.memory_space<hbm>> -> memref<4x8192xf32, #tpu.memory_space<hbm>>
    tpu.enqueue_dma source(%arg6 : memref<4x8192xf32, #tpu.memory_space<vmem>>) target(%dma_start3A_87 : memref<4x8192xf32, #tpu.memory_space<hbm>>) target_semaphore(%arg12 : memref<!tpu.dma_semaphore, #tpu.memory_space<semaphore_mem>>)
    %dma_wait3A_88 = arith.constant 0 : i32
    %dma_wait3A_89 = arith.constant 0 : i32
    %dma_wait3A_90 = tpu.memref_slice %arg4[%dma_wait3A_88, %dma_wait3A_89] : memref<8192x8192xf32, #tpu.memory_space<hbm>> -> memref<4x8192xf32, #tpu.memory_space<hbm>>
    %dma_wait3A_91 = arith.constant 0 : i32
    %dma_wait3A_92 = arith.constant 0 : i32
    %dma_wait3A_93 = tpu.memref_slice %arg4[%dma_wait3A_91, %dma_wait3A_92] : memref<8192x8192xf32, #tpu.memory_space<hbm>> -> memref<4x8192xf32, #tpu.memory_space<hbm>>
    tpu.wait_dma2 semaphore(%arg13 : memref<!tpu.dma_semaphore, #tpu.memory_space<semaphore_mem>>) src(%arg7 : memref<4x8192xf32, #tpu.memory_space<vmem>>) dst(%dma_wait3A_93 : memref<4x8192xf32, #tpu.memory_space<hbm>>)
    %dma_wait3A_94 = arith.constant 0 : i32
    %dma_wait3A_95 = arith.constant 0 : i32
    %dma_wait3A_96 = tpu.memref_slice %arg4[%dma_wait3A_94, %dma_wait3A_95] : memref<8192x8192xf32, #tpu.memory_space<hbm>> -> memref<4x8192xf32, #tpu.memory_space<hbm>>
    %dma_wait3A_97 = arith.constant 0 : i32
    %dma_wait3A_98 = arith.constant 0 : i32
    %dma_wait3A_99 = tpu.memref_slice %arg4[%dma_wait3A_97, %dma_wait3A_98] : memref<8192x8192xf32, #tpu.memory_space<hbm>> -> memref<4x8192xf32, #tpu.memory_space<hbm>>
    tpu.wait_dma2 semaphore(%arg14 : memref<!tpu.dma_semaphore, #tpu.memory_space<semaphore_mem>>) src(%arg8 : memref<4x8192xf32, #tpu.memory_space<vmem>>) dst(%dma_wait3A_99 : memref<4x8192xf32, #tpu.memory_space<hbm>>)
    %dma_wait3A_100 = arith.constant 0 : i32
    %dma_wait3A_101 = arith.constant 0 : i32
    %dma_wait3A_102 = tpu.memref_slice %arg4[%dma_wait3A_100, %dma_wait3A_101] : memref<8192x8192xf32, #tpu.memory_space<hbm>> -> memref<4x8192xf32, #tpu.memory_space<hbm>>
    %dma_wait3A_103 = arith.constant 0 : i32
    %dma_wait3A_104 = arith.constant 0 : i32
    %dma_wait3A_105 = tpu.memref_slice %arg4[%dma_wait3A_103, %dma_wait3A_104] : memref<8192x8192xf32, #tpu.memory_space<hbm>> -> memref<4x8192xf32, #tpu.memory_space<hbm>>
    tpu.wait_dma2 semaphore(%arg12 : memref<!tpu.dma_semaphore, #tpu.memory_space<semaphore_mem>>) src(%arg6 : memref<4x8192xf32, #tpu.memory_space<vmem>>) dst(%dma_wait3A_105 : memref<4x8192xf32, #tpu.memory_space<hbm>>)
    return
  }
}

</mosaic_0001>

<sc_bundles>
// kernel: kernel.3.cloned.1.call-start
scs
__scs_entry_jumppad:
0x0: {  	(pc) =	sbr.rel $0x88, $3  }
0x1: {  	(tag) =	ssettag $0x0;
	lr =	simm.s32 $0x1  }
0x2: {  	[smem:$0x3F9F] =	sst lr;
	_ =	strace $0xD0000000  }
0x3: {  	_ = 	snop  }
0x4: {  	_ = 	snop  }
0x5: {  	_ = 	snop  }
0x6: {  	_ = 	snop  }
0x7: {  	_ = 	snop  }
__scs_overlays_trampoline_lowered:
0x8: {  	[smem:$0x3FAE] =	sst s0  }
0x9: {  	[smem:$0x3FAF] =	sst s1  }
0xa: {  	[smem:$0x3FB0] =	sst s2  }
0xb: {  	[smem:$0x3FB1] =	sst s3  }
0xc: {  	[smem:$0x3FB2] =	sst s4  }
0xd: {  	[smem:$0x3FB3] =	sst s5  }
0xe: {  	[smem:$0x3FB4] =	sst s6  }
0xf: {  	[smem:$0x3FB5] =	sst s7  }
0x10: {  	[smem:$0x3FB6] =	sst s8  }
0x11: {  	[smem:$0x3FB7] =	sst s9;
	s0 =	simm.s32 @!p0 $0x0  }
0x12: {  	s1 =	sld [smem:$0x3F9D];
	s0 =	simm.s32 @p0 $0x1  }
0x13: {  	[smem:$0x3FB8] =	sst s0;
	s0 =	simm.s32 @!p1 $0x0  }
0x14: {  	s2 =	sld [smem:$0x3F9C];
	s0 =	simm.s32 @p1 $0x1  }
0x15: {  	[smem:$0x3FB9] =	sst s0;
	s0 =	simm.s32 @!p2 $0x0  }
0x16: {  	s3 =	sld [smem:$0x3FDB];
	s0 =	simm.s32 @p2 $0x1  }
0x17: {  	s4 =	simm.s32 $0x1BF5;
	[smem:$0x3FBB] =	sst s0  }
0x18: {  	s0 =	sld [smem:$0x3F9E];
	_ =	swait.ge [sflag:s4], $0x0  }
0x19: {  	s7 =	sld [smem:$0x3F9F]  }
0x1a: {  	s8 =	sadd.s32 $0xFFFFE003, lr  }
0x1b: {  	s9 =	sadd.s32 $0xFFFFFEF7, lr;
	s5 =	simm.s32 $0xFFFFFFFF;
	p2 =	slt.u32 s8, $0xFFFFF086  }
0x1c: {  	p1 =	slt.u32 s9, $0xF7A;
	s5 =	simm.s32 @!p2 $0x0  }
0x1d: {  	s5 =	simm.s32 @p1 $0x1;
	p0 =	seq.s32 s7, s2  }
0x1e: {  	s7 =	smul.u32 @!p0 $0xF7A, s2;
	p2 =	seq.s32 @!p0 s5, $0x0  }
0x1f: {  	s9 =	smul.u32 $0xF7A, s1;
	s8 =	simm.s32 @!p0 $0x1BF5;
	p2 =	por !p2, p0  }
0x20: {  	[sflag:s8] =	ssyncset.s32 @!p0 $0xFFFFF086;
	s6 =	sadd.s32 @!p0 s3, s7;
	s7 =	simm.s32 @!p0 $0x108  }
0x21: {  	s3 =	sadd.s32 s3, s9;
	s6 =	sadd.s32 @!p0 $0x88, s6;
	s7 =	simm.s32 @p2 $0x1082  }
0x22: {  	[simem:s7], [sflag:s8] =	dma.local @!p0 [hbm:s6], $0xF7A  }
0x23: {  	s9 =	sor.u32 $0xD0000000, s2;
	s6 =	simm.s32 $0x108;
	_ =	swait.ge @!p0 [sflag:s8], $0x0  }
0x24: {  	s3 =	sadd.s32 $0x88, s3;
	s6 =	simm.s32 @!p1 $0x1082;
	[sflag:s4] =	ssyncset.s32 $0xFFFFF086  }
0x25: {  	[simem:s6], [sflag:s4] =	dma.local [hbm:s3], $0xF7A  }
0x26: {  	[smem:$0x3F9F] =	sst s1;
	(tag) =	ssettag s2;
	_ =	strace s9  }
0x27: {  	s1 =	sld [smem:$0x3FAF]  }
0x28: {  	s2 =	sld [smem:$0x3FB0]  }
0x29: {  	s4 =	sld [smem:$0x3FB2]  }
0x2a: {  	p0 =	seq.s32 s5, $0x0;
	s5 =	sld [smem:$0x3FB3]  }
0x2b: {  	s6 =	sld [smem:$0x3FB4]  }
0x2c: {  	s7 =	sld [smem:$0x3FB5]  }
0x2d: {  	s3 =	simm.s32 $0x108;
	s8 =	sld [smem:$0x3FB6]  }
0x2e: {  	s3 =	simm.s32 @!p0 $0x1082;
	s9 =	sld [smem:$0x3FB7]  }
0x2f: {  	lr =	sadd.s32 s0, s3;
	s0 =	sld [smem:$0x3FAE]  }
0x30: {  	s3 =	sld [smem:$0x3FB1]  }
0x31: {  	[smem:$0x3FBA] =	sst s10  }
0x32: {  	s10 =	sld [smem:$0x3FB8];
	_ =	sdelay $0x3  }
0x33: {  	p0 =	seq.s32 s10, $0x1;
	s10 =	sld [smem:$0x3FBA];
	_ =	sdelay $0x3  }
0x34: {  	[smem:$0x3FBA] =	sst s10  }
0x35: {  	s10 =	sld [smem:$0x3FB9];
	_ =	sdelay $0x3  }
0x36: {  	p1 =	seq.s32 s10, $0x1;
	s10 =	sld [smem:$0x3FBA];
	_ =	sdelay $0x3  }
0x37: {  	[smem:$0x3FBA] =	sst s10  }
0x38: {  	s10 =	sld [smem:$0x3FBB]  }
0x39: {  	_ = 	snop;
	(pc) =	sbr.ind lr, $3  }
0x3a: {  	_ = 	snop  }
0x3b: {  	_ = 	snop  }
0x3c: {  	p2 =	seq.s32 s10, $0x1;
	s10 =	sld [smem:$0x3FBA]  }
0x3d: {  	_ =	shalt  }
0x3e: {  	_ =	shalt  }
0x3f: {  	_ =	shalt  }
0x40: {  	_ =	shalt  }
0x41: {  	_ =	shalt  }
0x42: {  	_ =	shalt  }
0x43: {  	_ =	shalt  }
0x44: {  	_ =	shalt  }
0x45: {  	_ =	shalt  }
0x46: {  	_ =	shalt  }
0x47: {  	_ =	shalt  }
0x48: {  	_ =	shalt  }
0x49: {  	_ =	shalt  }
0x4a: {  	_ =	shalt  }
0x4b: {  	_ =	shalt  }
0x4c: {  	_ =	shalt  }
0x4d: {  	_ =	shalt  }
0x4e: {  	_ =	shalt  }
0x4f: {  	_ =	shalt  }
0x50: {  	_ =	shalt  }
0x51: {  	_ =	shalt  }
0x52: {  	_ =	shalt  }
0x53: {  	_ =	shalt  }
0x54: {  	_ =	shalt  }
0x55: {  	_ =	shalt  }
0x56: {  	_ =	shalt  }
0x57: {  	_ =	shalt  }
0x58: {  	_ =	shalt  }
0x59: {  	_ =	shalt  }
0x5a: {  	_ =	shalt  }
0x5b: {  	_ =	shalt  }
0x5c: {  	_ =	shalt  }
0x5d: {  	_ =	shalt  }
0x5e: {  	_ =	shalt  }
0x5f: {  	_ =	shalt  }
0x60: {  	_ =	shalt  }
0x61: {  	_ =	shalt  }
0x62: {  	_ =	shalt  }
0x63: {  	_ =	shalt  }
0x64: {  	_ =	shalt  }
0x65: {  	_ =	shalt  }
0x66: {  	_ =	shalt  }
0x67: {  	_ =	shalt  }
0x68: {  	_ =	shalt  }
0x69: {  	_ =	shalt  }
0x6a: {  	_ =	shalt  }
0x6b: {  	_ =	shalt  }
0x6c: {  	_ =	shalt  }
0x6d: {  	_ =	shalt  }
0x6e: {  	_ =	shalt  }
0x6f: {  	_ =	shalt  }
0x70: {  	_ =	shalt  }
0x71: {  	_ =	shalt  }
0x72: {  	_ =	shalt  }
0x73: {  	_ =	shalt  }
0x74: {  	_ =	shalt  }
0x75: {  	_ =	shalt  }
0x76: {  	_ =	shalt  }
0x77: {  	_ =	shalt  }
0x78: {  	_ =	shalt  }
0x79: {  	_ =	shalt  }
0x7a: {  	_ =	shalt  }
0x7b: {  	_ =	shalt  }
0x7c: {  	_ =	shalt  }
0x7d: {  	_ =	shalt  }
0x7e: {  	_ =	shalt  }
0x7f: {  	_ =	shalt  }
0x80: {  	_ =	shalt  }
0x81: {  	_ =	shalt  }
0x82: {  	_ =	shalt  }
0x83: {  	_ =	shalt  }
0x84: {  	_ =	shalt  }
0x85: {  	_ =	shalt  }
0x86: {  	_ =	shalt  }
0x87: {  	_ =	shalt  }
.Lfunc_end0:
.L_simem_size_0:
called_computation_lowered:
.L_overlay_start_0:
0x88: {  	s2 =	sld [smem:$0x3FD9]  }
0x89: {  	s3 =	sld [smem:$0x3FFE];
	_ =	sdelay $0x1  }
0x8a: {  	s1 =	srdreg.scid  }
0x8b: {  	s0 =	sand.u32 $0x1, s1  }
0x8c: {  	s17 =	sshll.u32 s0, $0xA;
	s2 =	sadd.s32 s3, s2  }
0x8d: {  	s2 =	sadd.s32 s2, s17  }
0x8e: {  	[smem:$0x3FC6] =	sst s2  }
0x8f: {  	_ = 	snop  }
0x90: {  	s2 =	sld [smem:$0x3FC8]  }
0x91: {  	s18 =	sld [smem:$0x3FD0];
	(tm) =	ssettm $0x1  }
0x92: {  	s4 =	sld [smem:$0x3FFB];
	_ =	sdelay $0x3  }
0x93: {  	_ =	strace s4  }
0x94: {  	s4 =	sld [smem:$0x3FFC];
	_ =	sdelay $0x3  }
0x95: {  	_ =	strace s4  }
0x96: {  	s4 =	sld [smem:$0x3FFD];
	_ =	sdelay $0x3  }
0x97: {  	_ =	strace s4  }
0x98: {  	_ =	strace $0x8FFFFFFF  }
0x99: {  	s19 =	sld [smem:$0x3FDB];
	_ =	sdelay $0x1  }
0x9a: {  	s5 =	simm.s32 $_scs_section_size  }
0x9b: {  	s6 =	simm.s32 $_size__tile_overlayer_lowered;
	s7 =	simm.s32 $_tile_overlayer_lowered  }
0x9c: {  	s22 =	simm.s32 $0x1BFF;
	s21 =	sshll.u32 s7, $0x1;
	s4 =	sadd.s32 s5, s19  }
0x9d: {  	s8 =	simm.s32 $0x0;
	s20 =	sshll.u32 s6, $0x1;
	s6 =	sadd.s32 s21, s4  }
0x9e: {  	[timem:s8], [sflag:s22] =	dma.local [hbm:s6], s20  }
0x9f: {  	_ =	swait.ge [sflag:s22], s20  }
0xa0: {  	s5 =	ssub.s32 $0x0, s20;
	[sflag:s22] =	ssyncset.done $0x0  }
0xa1: {  	[sflag:s22] =	ssyncadd.s32 s5;
	_ =	sdelay $0x1  }
0xa2: {  	s23 =	simm.s32 $0x1B8B  }
0xa3: {  	_ =	swait.ge [sflag:s23], $0x1  }
0xa4: {  	[sflag:s23] =	ssyncset.done $0x0  }
0xa5: {  	s25 =	simm.s32 $0x1B8E;
	s24 =	sld [smem:$0x3FFE];
	[sflag:s23] =	ssyncadd.s32 $0xFFFFFFFF  }
0xa6: {  	s26 =	simm.s32 $execute0_lowered;
	[smem:$0x3FD2] =	sst s25  }
0xa7: {  	s6 =	sshll.u32 s26, $0x1;
	_ =	strace $0x80000046;
	[dreg:$0x1] =	wrdreg $0xFFFFFFFF  }
0xa8: {  	s28 =	simm.s32 $_size_execute0_lowered;
	s4 =	sadd.s32 s4, s6;
	[dreg:$0x0] =	wrdreg $0x0  }
0xa9: {  	s6 =	sshll.u32 s28, $0x1;
	[dreg:$0x2] =	wrdreg s4  }
0xaa: {  	[dreg:$0x3] =	wrdreg s6  }
0xab: {  	[dreg:$0x4] =	wrdreg $0xC0  }
0xac: {  	_ =	task [dreg:s8], $0x5FFFF  }
0xad: {  	[dreg:$0x1] =	wrdreg $0xFFFFFFFF  }
0xae: {  	[dreg:$0x0] =	wrdreg $0x60  }
0xaf: {  	[dreg:$0x2] =	wrdreg s24  }
0xb0: {  	[dreg:$0x3] =	wrdreg s2  }
0xb1: {  	[dreg:$0x4] =	wrdreg s18  }
0xb2: {  	[dreg:$0x5] =	wrdreg $0x9  }
0xb3: {  	_ =	task.clear_ibuf [dreg:s8], $0x6FFFF;
	_ =	strace $0x90000046  }
0xb4: {  	s29 =	simm.s32 $0x9;
	_ =	strace $0x80000048  }
0xb5: {  	_ =	swait.ge [sflag:s29], $0x1  }
0xb6: {  	[sflag:s29] =	ssyncadd.s32 $0xFFFFFFFF  }
0xb7: {  	_ =	strace $0x90000048  }
0xb8: {  	_ =	sfence  }
0xb9: {  	s30 =	sld [smem:$0x0];
	_ =	sdelay $0x2  }
0xba: {  	s31 =	sshll.u32 s1, $0xD;
	s1 =	sshrl.u32 s1, $0x2  }
0xbb: {  	s3 =	sand.u32 $0x4000, s31;
	s1 =	sadd.s32 s1, s30  }
0xbc: {  	s0 =	sor.u32 s3, s0;
	s1 =	sshll.u32 s1, $0x11  }
0xbd: {  	s0 =	sor.u32 s1, s0  }
0xbe: {  	s0 =	sadd.s32 $0x8F2B, s0  }
0xbf: {  	[sflag:s0] =	ssyncadd.remote.s32 $0x1  }
0xc0: {  	_ =	sfence.sel $0xFFFF  }
0xc1: {  	[dreg:$0x0] =	wrdreg $0xFFFFFFFF;
	(pc) =	sbr.abs _section_cstart, $3  }
0xc2: {  	[dreg:$0x1] =	wrdreg $0xFFFFFFFF  }
0xc3: {  	_ =	task.clear_ibuf [dreg:s8], $0x2FFFF;
	_ =	strace $0x9FFFFFFF  }
0xc4: {  	(tm) =	ssettm $0x7FFFFFFF  }
0xc5: {  	_ =	shalt  }
tec
execute0_lowered:
.L_overlay_start_1:
0x0: {  	(tag) =	ssettag $0x1  }
0x1: {  	s0 =	rddreg [dreg:$0x0]  }
0x2: {  	s3 =	rddreg [dreg:$0x1]  }
0x3: {  	s30 =	rddreg [dreg:$0x2];
	s4 =	simm.s32 $0x0  }
0x4: {  	[smem:$0x7FF] =	sst s4;
	s24 =	sadd.s32 $0x200, s3  }
0x5: {  	s25 =	sadd.s32 $0x400, s3;
	_ =	strace $0x80000047;
	[dreg:$0xb] =	wrdreg s24  }
0x6: {  	s26 =	sadd.s32 $0x600, s3;
	[dreg:$0xc] =	wrdreg s25  }
0x7: {  	s9 =	sadd.s32 $0xE00, s3;
	[dreg:$0xd] =	wrdreg s26  }
0x8: {  	s10 =	sadd.s32 $0x1000, s3;
	[dreg:$0x11] =	wrdreg s9  }
0x9: {  	s11 =	sadd.s32 $0x1200, s3;
	[dreg:$0x12] =	wrdreg s10  }
0xa: {  	s1 =	srdreg.scid;
	s12 =	sadd.s32 $0x1400, s3;
	[dreg:$0x13] =	wrdreg s11  }
0xb: {  	s2 =	stileid.u32;
	s13 =	sadd.s32 $0x1600, s3;
	[dreg:$0x14] =	wrdreg s12  }
0xc: {  	s1 =	sand.u32 $0x1, s1;
	s14 =	sadd.s32 $0x1800, s3;
	[dreg:$0x15] =	wrdreg s13  }
0xd: {  	s5 =	sshll.u32 s2, $0x1;
	s15 =	sadd.s32 $0x1A00, s3;
	[dreg:$0x16] =	wrdreg s14  }
0xe: {  	s16 =	sadd.s32 $0x1C00, s3;
	s18 =	sshll.u32 s2, $0x13;
	[dreg:$0x17] =	wrdreg s15  }
0xf: {  	s19 =	sadd.s32 $0x1E00, s3;
	s5 =	sor.u32 s1, s5;
	[dreg:$0x18] =	wrdreg s16  }
0x10: {  	s6 =	ssub.s32 $0x2, s1;
	s1 =	sshll.u32 s1, $0x12;
	[dreg:$0x19] =	wrdreg s19  }
0x11: {  	s7 =	sshll.u32 s5, $0xA;
	s8 =	sshrl.u32 s6, $0x1;
	s22 =	sor.u32 s1, s18  }
0x12: {  	s21 =	ssub.s32 s6, s8;
	s6 =	sadd.s32 $0x800, s3;
	[dreg:$0x4] =	wrdreg s22  }
0x13: {  	s0 =	sadd.s32 s7, s0;
	s7 =	sadd.s32 $0xA00, s3;
	[dreg:$0xe] =	wrdreg s6  }
0x14: {  	s17 =	sshll.u32 s5, $0x12;
	s8 =	sadd.s32 $0xC00, s3;
	[dreg:$0xf] =	wrdreg s7  }
0x15: {  	s28 =	simm.s32 $0xC800;
	s20 =	sadd.s32 s30, s17;
	[dreg:$0x10] =	wrdreg s8  }
0x16: {  	s29 =	simm.s32 $0xD000;
	s0 =	sadd.s32 $0x400, s0;
	[dreg:$0x6] =	wrdreg s20  }
0x17: {  	s31 =	simm.s32 $0xD800;
	s23 =	sadd.s32 $0x3C040, s20;
	[dreg:$0x5] =	wrdreg s0  }
0x18: {  	s5 =	simm.s32 $0x400;
	s24 =	sadd.s32 $0x3E000, s20;
	[dreg:$0x7] =	wrdreg s23  }
0x19: {  	s1 =	simm.s32 $0x0;
	s25 =	sadd.s32 $0x3E040, s20;
	[dreg:$0x8] =	wrdreg s24  }
0x1a: {  	v0 =	vlaneseq.u32;
	s22 =	simm.s32 $0xB000;
	s26 =	smax.u32 s21, $0x1;
	[dreg:$0x9] =	wrdreg s25  }
0x1b: {  	v1 =	vshrl.u32 v0, $0x2;
	s21 =	simm.s32 $0x12800;
	[dreg:$0xa] =	wrdreg s26;
	s23 =	simm.s32 $0xA800  }
0x1c: {  	vm0 =	vmmov $0xffff;
	v0 =	vand.u32 $0x3, v0;
	v1 =	vmul.u32 $0x8, v1;
	s24 =	simm.s32 $0xB800;
	s25 =	simm.s32 $0xC000;
	s26 =	simm.s32 $0x12000  }
.LBB2_1:
0x1d: {  	[dreg:$0x1a] =	wrdreg s1  }
0x1e: {  	s0 =	rddreg [dreg:$0x5];
	s7 =	simm.s32 $0x7  }
0x1f: {  	[tilespmem:s4], [sflag:$0x7] =	stream.linear.gather [hbm4b:s0+s4], $0x2000, $0x38;
	[tilespmem:$0x1A000] =	vst v63  }
0x20: {  	_ =	swait.ge [sflag:s7], $0x2000  }
0x21: {  	[sflag:s7] =	ssyncset.done $0x0  }
0x22: {  	[sflag:s7] =	ssyncadd.s32 $0xFFFFE000  }
0x23: {  	v2 =	vld.msk [tilespmem:$0x0], $0xf;
	_ =	sdelay $0x4  }
0x24: {  	v3 =	vshll.u32 v2, $0x6  }
0x25: {  	v2 =	vand.u32 $0x7, v2;
	v3 =	vand.u32 $0xFFFFFE00, v3  }
0x26: {  	v2 =	vor.u32 v2, v3  }
0x27: {  	v2 =	vperm.xlane v2, v0;
	_ =	sdelay $0x1  }
0x28: {  	v2 =	vadd.s32 v1, v2;
	_ =	sdelay $0x3  }
0x29: {  	s3 =	simm.s32 $0x2000;
	s0 =	rddreg [dreg:$0x1]  }
0x2a: {  	[tilespmem:s3], [sflag:$0x1] =	stream.indirect_vreg.gather [hbm4b:s0+s4], $0x80, v2, vm0, $0xb8;
	[tilespmem:$0x1A000] =	vst v63  }
0x2b: {  	s2 =	simm.s32 $0x2800;
	s6 =	rddreg [dreg:$0xb]  }
0x2c: {  	[tilespmem:s2], [sflag:$0x1] =	stream.indirect_vreg.gather [hbm4b:s6+s4], $0x80, v2, vm0, $0xb8;
	[tilespmem:$0x1A000] =	vst v63  }
0x2d: {  	s8 =	simm.s32 $0x3000;
	s7 =	rddreg [dreg:$0xc]  }
0x2e: {  	[tilespmem:s8], [sflag:$0x1] =	stream.indirect_vreg.gather [hbm4b:s7+s4], $0x80, v2, vm0, $0xb8;
	[tilespmem:$0x1A000] =	vst v63  }
0x2f: {  	s9 =	simm.s32 $0x3800;
	s8 =	rddreg [dreg:$0xd]  }
0x30: {  	[tilespmem:s9], [sflag:$0x1] =	stream.indirect_vreg.gather [hbm4b:s8+s4], $0x80, v2, vm0, $0xb8;
	[tilespmem:$0x1A000] =	vst v63  }
0x31: {  	s10 =	simm.s32 $0x4000;
	s9 =	rddreg [dreg:$0xe]  }
0x32: {  	[tilespmem:s10], [sflag:$0x1] =	stream.indirect_vreg.gather [hbm4b:s9+s4], $0x80, v2, vm0, $0xb8;
	[tilespmem:$0x1A000] =	vst v63  }
0x33: {  	s11 =	simm.s32 $0x4800;
	s10 =	rddreg [dreg:$0xf]  }
0x34: {  	[tilespmem:s11], [sflag:$0x1] =	stream.indirect_vreg.gather [hbm4b:s10+s4], $0x80, v2, vm0, $0xb8;
	[tilespmem:$0x1A000] =	vst v63  }
0x35: {  	s12 =	simm.s32 $0x5000;
	s11 =	rddreg [dreg:$0x10]  }
0x36: {  	[tilespmem:s12], [sflag:$0x1] =	stream.indirect_vreg.gather [hbm4b:s11+s4], $0x80, v2, vm0, $0xb8;
	[tilespmem:$0x1A000] =	vst v63  }
0x37: {  	s13 =	simm.s32 $0x5800;
	s12 =	rddreg [dreg:$0x11]  }
0x38: {  	[tilespmem:s13], [sflag:$0x1] =	stream.indirect_vreg.gather [hbm4b:s12+s4], $0x80, v2, vm0, $0xb8;
	[tilespmem:$0x1A000] =	vst v63  }
0x39: {  	s14 =	simm.s32 $0x6000;
	s13 =	rddreg [dreg:$0x12]  }
0x3a: {  	[tilespmem:s14], [sflag:$0x1] =	stream.indirect_vreg.gather [hbm4b:s13+s4], $0x80, v2, vm0, $0xb8;
	[tilespmem:$0x1A000] =	vst v63  }
0x3b: {  	s15 =	simm.s32 $0x6800;
	s14 =	rddreg [dreg:$0x13]  }
0x3c: {  	[tilespmem:s15], [sflag:$0x1] =	stream.indirect_vreg.gather [hbm4b:s14+s4], $0x80, v2, vm0, $0xb8;
	[tilespmem:$0x1A000] =	vst v63  }
0x3d: {  	s16 =	simm.s32 $0x7000;
	s15 =	rddreg [dreg:$0x14]  }
0x3e: {  	[tilespmem:s16], [sflag:$0x1] =	stream.indirect_vreg.gather [hbm4b:s15+s4], $0x80, v2, vm0, $0xb8;
	[tilespmem:$0x1A000] =	vst v63  }
0x3f: {  	s17 =	simm.s32 $0x7800;
	s16 =	rddreg [dreg:$0x15]  }
0x40: {  	[tilespmem:s17], [sflag:$0x1] =	stream.indirect_vreg.gather [hbm4b:s16+s4], $0x80, v2, vm0, $0xb8;
	[tilespmem:$0x1A000] =	vst v63  }
0x41: {  	s18 =	simm.s32 $0x8000;
	s17 =	rddreg [dreg:$0x16]  }
0x42: {  	[tilespmem:s18], [sflag:$0x1] =	stream.indirect_vreg.gather [hbm4b:s17+s4], $0x80, v2, vm0, $0xb8;
	[tilespmem:$0x1A000] =	vst v63  }
0x43: {  	s19 =	simm.s32 $0x8800;
	s18 =	rddreg [dreg:$0x17]  }
0x44: {  	[tilespmem:s19], [sflag:$0x1] =	stream.indirect_vreg.gather [hbm4b:s18+s4], $0x80, v2, vm0, $0xb8;
	[tilespmem:$0x1A000] =	vst v63  }
0x45: {  	s20 =	simm.s32 $0x9000;
	s19 =	rddreg [dreg:$0x18]  }
0x46: {  	[tilespmem:s20], [sflag:$0x1] =	stream.indirect_vreg.gather [hbm4b:s19+s4], $0x80, v2, vm0, $0xb8;
	[tilespmem:$0x1A000] =	vst v63  }
0x47: {  	s1 =	simm.s32 $0x9800;
	s20 =	rddreg [dreg:$0x19]  }
0x48: {  	[tilespmem:s1], [sflag:$0x1] =	stream.indirect_vreg.gather [hbm4b:s20+s4], $0x80, v2, vm0, $0xb8;
	[tilespmem:$0x1A000] =	vst v63  }
0x49: {  	v2 =	vld.msk [tilespmem:$0x80], $0xf;
	_ =	sdelay $0x4  }
0x4a: {  	v3 =	vshll.u32 v2, $0x6  }
0x4b: {  	v2 =	vand.u32 $0x7, v2;
	v3 =	vand.u32 $0xFFFFFE00, v3  }
0x4c: {  	v2 =	vor.u32 v2, v3  }
0x4d: {  	v2 =	vperm.xlane v2, v0;
	_ =	sdelay $0x1  }
0x4e: {  	v2 =	vadd.s32 v1, v2;
	_ =	sdelay $0x3  }
0x4f: {  	s2 =	simm.s32 $0xA000  }
0x50: {  	[tilespmem:s2], [sflag:$0x2] =	stream.indirect_vreg.gather [hbm4b:s0+s4], $0x80, v2, vm0, $0xb8;
	[tilespmem:$0x1A000] =	vst v63  }
0x51: {  	_ = 	snop  }
0x52: {  	[tilespmem:s23], [sflag:$0x2] =	stream.indirect_vreg.gather [hbm4b:s6+s4], $0x80, v2, vm0, $0xb8;
	[tilespmem:$0x1A000] =	vst v63  }
0x53: {  	_ = 	snop  }
0x54: {  	[tilespmem:s22], [sflag:$0x2] =	stream.indirect_vreg.gather [hbm4b:s7+s4], $0x80, v2, vm0, $0xb8;
	[tilespmem:$0x1A000] =	vst v63  }
0x55: {  	_ = 	snop  }
0x56: {  	[tilespmem:s24], [sflag:$0x2] =	stream.indirect_vreg.gather [hbm4b:s8+s4], $0x80, v2, vm0, $0xb8;
	[tilespmem:$0x1A000] =	vst v63  }
0x57: {  	_ = 	snop  }
0x58: {  	[tilespmem:s25], [sflag:$0x2] =	stream.indirect_vreg.gather [hbm4b:s9+s4], $0x80, v2, vm0, $0xb8;
	[tilespmem:$0x1A000] =	vst v63  }
0x59: {  	_ = 	snop  }
0x5a: {  	[tilespmem:s28], [sflag:$0x2] =	stream.indirect_vreg.gather [hbm4b:s10+s4], $0x80, v2, vm0, $0xb8;
	[tilespmem:$0x1A000] =	vst v63  }
0x5b: {  	_ = 	snop  }
0x5c: {  	[tilespmem:s29], [sflag:$0x2] =	stream.indirect_vreg.gather [hbm4b:s11+s4], $0x80, v2, vm0, $0xb8;
	[tilespmem:$0x1A000] =	vst v63  }
0x5d: {  	_ = 	snop  }
0x5e: {  	[tilespmem:s31], [sflag:$0x2] =	stream.indirect_vreg.gather [hbm4b:s12+s4], $0x80, v2, vm0, $0xb8;
	[tilespmem:$0x1A000] =	vst v63  }
0x5f: {  	s22 =	simm.s32 $0xE000  }
0x60: {  	[tilespmem:s22], [sflag:$0x2] =	stream.indirect_vreg.gather [hbm4b:s13+s4], $0x80, v2, vm0, $0xb8;
	[tilespmem:$0x1A000] =	vst v63  }
0x61: {  	s23 =	simm.s32 $0xE800  }
0x62: {  	[tilespmem:s23], [sflag:$0x2] =	stream.indirect_vreg.gather [hbm4b:s14+s4], $0x80, v2, vm0, $0xb8;
	[tilespmem:$0x1A000] =	vst v63  }
0x63: {  	s24 =	simm.s32 $0xF000  }
0x64: {  	[tilespmem:s24], [sflag:$0x2] =	stream.indirect_vreg.gather [hbm4b:s15+s4], $0x80, v2, vm0, $0xb8;
	[tilespmem:$0x1A000] =	vst v63  }
0x65: {  	s25 =	simm.s32 $0xF800  }
0x66: {  	[tilespmem:s25], [sflag:$0x2] =	stream.indirect_vreg.gather [hbm4b:s16+s4], $0x80, v2, vm0, $0xb8;
	[tilespmem:$0x1A000] =	vst v63  }
0x67: {  	s31 =	simm.s32 $0x10000  }
0x68: {  	[tilespmem:s31], [sflag:$0x2] =	stream.indirect_vreg.gather [hbm4b:s17+s4], $0x80, v2, vm0, $0xb8;
	[tilespmem:$0x1A000] =	vst v63  }
0x69: {  	s2 =	simm.s32 $0x10800  }
0x6a: {  	[tilespmem:s2], [sflag:$0x2] =	stream.indirect_vreg.gather [hbm4b:s18+s4], $0x80, v2, vm0, $0xb8;
	[tilespmem:$0x1A000] =	vst v63  }
0x6b: {  	s22 =	simm.s32 $0x11000  }
0x6c: {  	[tilespmem:s22], [sflag:$0x2] =	stream.indirect_vreg.gather [hbm4b:s19+s4], $0x80, v2, vm0, $0xb8;
	[tilespmem:$0x1A000] =	vst v63  }
0x6d: {  	s23 =	simm.s32 $0x11800;
	s24 =	simm.s32 $0x1  }
0x6e: {  	[tilespmem:s23], [sflag:$0x2] =	stream.indirect_vreg.gather [hbm4b:s20+s4], $0x80, v2, vm0, $0xb8;
	[tilespmem:$0x1A000] =	vst v63  }
0x6f: {  	_ =	swait.ge [sflag:s24], $0x8000  }
0x70: {  	[sflag:s24] =	ssyncset.done $0x0  }
0x71: {  	s31 =	simm.s32 $0x200;
	s25 =	rddreg [dreg:$0x6];
	[sflag:s24] =	ssyncadd.s32 $0xFFFF8000  }
0x72: {  	[hbm4b:s25+s31] =	stream.strided.scatter [tilespmem:s3], [sflag:$0x4], $0x8000, s5, s31, $0x38;
	[tilespmem:$0x1A000] =	vst v63  }
0x73: {  	v2 =	vld.msk [tilespmem:$0x100], $0xf;
	_ =	sdelay $0x4  }
0x74: {  	v3 =	vshll.u32 v2, $0x6  }
0x75: {  	v2 =	vand.u32 $0x7, v2;
	v3 =	vand.u32 $0xFFFFFE00, v3  }
0x76: {  	v2 =	vor.u32 v2, v3  }
0x77: {  	v2 =	vperm.xlane v2, v0;
	_ =	sdelay $0x1  }
0x78: {  	v2 =	vadd.s32 v1, v2;
	_ =	sdelay $0x4  }
0x79: {  	[tilespmem:s26], [sflag:$0x3] =	stream.indirect_vreg.gather [hbm4b:s0+s4], $0x80, v2, vm0, $0xb8;
	[tilespmem:$0x1A000] =	vst v63  }
0x7a: {  	_ = 	snop  }
0x7b: {  	[tilespmem:s21], [sflag:$0x3] =	stream.indirect_vreg.gather [hbm4b:s6+s4], $0x80, v2, vm0, $0xb8;
	[tilespmem:$0x1A000] =	vst v63  }
0x7c: {  	s6 =	simm.s32 $0x13000  }
0x7d: {  	[tilespmem:s6], [sflag:$0x3] =	stream.indirect_vreg.gather [hbm4b:s7+s4], $0x80, v2, vm0, $0xb8;
	[tilespmem:$0x1A000] =	vst v63  }
0x7e: {  	s7 =	simm.s32 $0x13800  }
0x7f: {  	[tilespmem:s7], [sflag:$0x3] =	stream.indirect_vreg.gather [hbm4b:s8+s4], $0x80, v2, vm0, $0xb8;
	[tilespmem:$0x1A000] =	vst v63  }
0x80: {  	s8 =	simm.s32 $0x14000  }
0x81: {  	[tilespmem:s8], [sflag:$0x3] =	stream.indirect_vreg.gather [hbm4b:s9+s4], $0x80, v2, vm0, $0xb8;
	[tilespmem:$0x1A000] =	vst v63  }
0x82: {  	s9 =	simm.s32 $0x14800  }
0x83: {  	[tilespmem:s9], [sflag:$0x3] =	stream.indirect_vreg.gather [hbm4b:s10+s4], $0x80, v2, vm0, $0xb8;
	[tilespmem:$0x1A000] =	vst v63  }
0x84: {  	s10 =	simm.s32 $0x15000  }
0x85: {  	[tilespmem:s10], [sflag:$0x3] =	stream.indirect_vreg.gather [hbm4b:s11+s4], $0x80, v2, vm0, $0xb8;
	[tilespmem:$0x1A000] =	vst v63  }
0x86: {  	s11 =	simm.s32 $0x15800  }
0x87: {  	[tilespmem:s11], [sflag:$0x3] =	stream.indirect_vreg.gather [hbm4b:s12+s4], $0x80, v2, vm0, $0xb8;
	[tilespmem:$0x1A000] =	vst v63  }
0x88: {  	s12 =	simm.s32 $0x16000  }
0x89: {  	[tilespmem:s12], [sflag:$0x3] =	stream.indirect_vreg.gather [hbm4b:s13+s4], $0x80, v2, vm0, $0xb8;
	[tilespmem:$0x1A000] =	vst v63  }
0x8a: {  	s21 =	simm.s32 $0x16800  }
0x8b: {  	[tilespmem:s21], [sflag:$0x3] =	stream.indirect_vreg.gather [hbm4b:s14+s4], $0x80, v2, vm0, $0xb8;
	[tilespmem:$0x1A000] =	vst v63  }
0x8c: {  	s22 =	simm.s32 $0x17000  }
0x8d: {  	[tilespmem:s22], [sflag:$0x3] =	stream.indirect_vreg.gather [hbm4b:s15+s4], $0x80, v2, vm0, $0xb8;
	[tilespmem:$0x1A000] =	vst v63  }
0x8e: {  	s23 =	simm.s32 $0x17800  }
0x8f: {  	[tilespmem:s23], [sflag:$0x3] =	stream.indirect_vreg.gather [hbm4b:s16+s4], $0x80, v2, vm0, $0xb8;
	[tilespmem:$0x1A000] =	vst v63  }
0x90: {  	s24 =	simm.s32 $0x18000  }
0x91: {  	[tilespmem:s24], [sflag:$0x3] =	stream.indirect_vreg.gather [hbm4b:s17+s4], $0x80, v2, vm0, $0xb8;
	[tilespmem:$0x1A000] =	vst v63  }
0x92: {  	s25 =	simm.s32 $0x18800  }
0x93: {  	[tilespmem:s25], [sflag:$0x3] =	stream.indirect_vreg.gather [hbm4b:s18+s4], $0x80, v2, vm0, $0xb8;
	[tilespmem:$0x1A000] =	vst v63  }
0x94: {  	s28 =	simm.s32 $0x0;
	s29 =	simm.s32 $0x280;
	s26 =	simm.s32 $0x19000  }
0x95: {  	[tilespmem:s26], [sflag:$0x3] =	stream.indirect_vreg.gather [hbm4b:s19+s4], $0x80, v2, vm0, $0xb8;
	[tilespmem:$0x1A000] =	vst v63  }
0x96: {  	s31 =	simm.s32 $0x19800;
	s0 =	simm.s32 $0x0;
	s25 =	simm.s32 $0xC0  }
0x97: {  	[tilespmem:s31], [sflag:$0x3] =	stream.indirect_vreg.gather [hbm4b:s20+s4], $0x80, v2, vm0, $0xb8;
	[tilespmem:$0x1A000] =	vst v63  }
.LBB2_2:
0x98: {  	s1 =	simm.s32 $0x2  }
0x99: {  	_ =	swait.ge [sflag:s1], $0x8000  }
0x9a: {  	s3 =	sadd.s32 $0xFFFFFF80, s25;
	s31 =	rddreg [dreg:$0x4]  }
0x9b: {  	s23 =	simm.s32 $0xA000;
	s5 =	simm.s32 $0x200;
	s31 =	sadd.s32 s0, s31  }
0x9c: {  	s21 =	simm.s32 $0x400;
	s3 =	sand.u32 $0x40, s3;
	s2 =	sadd.s32 $0x1000, s31  }
0x9d: {  	[sflag:s1] =	ssyncset.done $0x0;
	s3 =	sadd.s32 s30, s3;
	s2 =	sand.u32 $0xFFFE000, s2  }
0x9e: {  	s10 =	simm.s32 $0x4;
	[sflag:s1] =	ssyncadd.s32 $0xFFFF8000;
	s2 =	sadd.s32 s2, s3  }
0x9f: {  	[hbm4b:s2+s5] =	stream.strided.scatter [tilespmem:s23], [sflag:$0x5], $0x8000, s21, s5, $0x38;
	[tilespmem:$0x1A000] =	vst v63  }
0xa0: {  	_ =	swait.ge [sflag:s10], $0x8000  }
0xa1: {  	[sflag:s10] =	ssyncset.done $0x0  }
0xa2: {  	[sflag:s10] =	ssyncadd.s32 $0xFFFF8000  }
0xa3: {  	v2 =	vld.msk [tilespmem:s29+$0xFFFFFF00], $0xf;
	_ =	sdelay $0x4  }
0xa4: {  	v3 =	vshll.u32 v2, $0x6  }
0xa5: {  	v2 =	vand.u32 $0x7, v2;
	v3 =	vand.u32 $0xFFFFFE00, v3  }
0xa6: {  	v2 =	vor.u32 v2, v3  }
0xa7: {  	v2 =	vperm.xlane v2, v0;
	_ =	sdelay $0x1  }
0xa8: {  	v2 =	vadd.s32 v1, v2;
	_ =	sdelay $0x3  }
0xa9: {  	s22 =	smov.u32 s30;
	s24 =	simm.s32 $0x2000;
	s30 =	rddreg [dreg:$0x1]  }
0xaa: {  	[tilespmem:s24], [sflag:$0x1] =	stream.indirect_vreg.gather [hbm4b:s30+s4], $0x80, v2, vm0, $0xb8;
	[tilespmem:$0x1A000] =	vst v63  }
0xab: {  	s11 =	simm.s32 $0x2800;
	s7 =	rddreg [dreg:$0xb]  }
0xac: {  	[tilespmem:s11], [sflag:$0x1] =	stream.indirect_vreg.gather [hbm4b:s7+s4], $0x80, v2, vm0, $0xb8;
	[tilespmem:$0x1A000] =	vst v63  }
0xad: {  	s12 =	simm.s32 $0x3000;
	s8 =	rddreg [dreg:$0xc]  }
0xae: {  	[tilespmem:s12], [sflag:$0x1] =	stream.indirect_vreg.gather [hbm4b:s8+s4], $0x80, v2, vm0, $0xb8;
	[tilespmem:$0x1A000] =	vst v63  }
0xaf: {  	s13 =	simm.s32 $0x3800;
	s9 =	rddreg [dreg:$0xd]  }
0xb0: {  	[tilespmem:s13], [sflag:$0x1] =	stream.indirect_vreg.gather [hbm4b:s9+s4], $0x80, v2, vm0, $0xb8;
	[tilespmem:$0x1A000] =	vst v63  }
0xb1: {  	s14 =	simm.s32 $0x4000;
	s10 =	rddreg [dreg:$0xe]  }
0xb2: {  	[tilespmem:s14], [sflag:$0x1] =	stream.indirect_vreg.gather [hbm4b:s10+s4], $0x80, v2, vm0, $0xb8;
	[tilespmem:$0x1A000] =	vst v63  }
0xb3: {  	s15 =	simm.s32 $0x4800;
	s11 =	rddreg [dreg:$0xf]  }
0xb4: {  	[tilespmem:s15], [sflag:$0x1] =	stream.indirect_vreg.gather [hbm4b:s11+s4], $0x80, v2, vm0, $0xb8;
	[tilespmem:$0x1A000] =	vst v63  }
0xb5: {  	s16 =	simm.s32 $0x5000;
	s12 =	rddreg [dreg:$0x10]  }
0xb6: {  	[tilespmem:s16], [sflag:$0x1] =	stream.indirect_vreg.gather [hbm4b:s12+s4], $0x80, v2, vm0, $0xb8;
	[tilespmem:$0x1A000] =	vst v63  }
0xb7: {  	s17 =	simm.s32 $0x5800;
	s13 =	rddreg [dreg:$0x11]  }
0xb8: {  	[tilespmem:s17], [sflag:$0x1] =	stream.indirect_vreg.gather [hbm4b:s13+s4], $0x80, v2, vm0, $0xb8;
	[tilespmem:$0x1A000] =	vst v63  }
0xb9: {  	s18 =	simm.s32 $0x6000;
	s14 =	rddreg [dreg:$0x12]  }
0xba: {  	[tilespmem:s18], [sflag:$0x1] =	stream.indirect_vreg.gather [hbm4b:s14+s4], $0x80, v2, vm0, $0xb8;
	[tilespmem:$0x1A000] =	vst v63  }
0xbb: {  	s19 =	simm.s32 $0x6800;
	s15 =	rddreg [dreg:$0x13]  }
0xbc: {  	[tilespmem:s19], [sflag:$0x1] =	stream.indirect_vreg.gather [hbm4b:s15+s4], $0x80, v2, vm0, $0xb8;
	[tilespmem:$0x1A000] =	vst v63  }
0xbd: {  	s20 =	simm.s32 $0x7000;
	s16 =	rddreg [dreg:$0x14]  }
0xbe: {  	[tilespmem:s20], [sflag:$0x1] =	stream.indirect_vreg.gather [hbm4b:s16+s4], $0x80, v2, vm0, $0xb8;
	[tilespmem:$0x1A000] =	vst v63  }
0xbf: {  	s26 =	simm.s32 $0x7800;
	s17 =	rddreg [dreg:$0x15]  }
0xc0: {  	[tilespmem:s26], [sflag:$0x1] =	stream.indirect_vreg.gather [hbm4b:s17+s4], $0x80, v2, vm0, $0xb8;
	[tilespmem:$0x1A000] =	vst v63  }
0xc1: {  	s1 =	simm.s32 $0x8000;
	s18 =	rddreg [dreg:$0x16]  }
0xc2: {  	[tilespmem:s1], [sflag:$0x1] =	stream.indirect_vreg.gather [hbm4b:s18+s4], $0x80, v2, vm0, $0xb8;
	[tilespmem:$0x1A000] =	vst v63  }
0xc3: {  	s3 =	simm.s32 $0x8800;
	s19 =	rddreg [dreg:$0x17]  }
0xc4: {  	[tilespmem:s3], [sflag:$0x1] =	stream.indirect_vreg.gather [hbm4b:s19+s4], $0x80, v2, vm0, $0xb8;
	[tilespmem:$0x1A000] =	vst v63  }
0xc5: {  	s6 =	simm.s32 $0x9000;
	s20 =	rddreg [dreg:$0x18];
	s26 =	simm.s32 $0x9800  }
0xc6: {  	[tilespmem:s6], [sflag:$0x1] =	stream.indirect_vreg.gather [hbm4b:s20+s4], $0x80, v2, vm0, $0xb8;
	[tilespmem:$0x1A000] =	vst v63  }
0xc7: {  	s1 =	rddreg [dreg:$0x19];
	s3 =	sadd.s32 $0x2000, s31;
	s6 =	simm.s32 $0x3  }
0xc8: {  	[tilespmem:s26], [sflag:$0x1] =	stream.indirect_vreg.gather [hbm4b:s1+s4], $0x80, v2, vm0, $0xb8;
	[tilespmem:$0x1A000] =	vst v63  }
0xc9: {  	s2 =	sand.u32 $0xFFFE000, s3;
	s26 =	sand.u32 $0x40, s28;
	_ =	swait.ge [sflag:s6], $0x8000  }
0xca: {  	s3 =	sadd.s32 s22, s26;
	s26 =	simm.s32 $0x5;
	[sflag:s6] =	ssyncset.done $0x0  }
0xcb: {  	s2 =	sadd.s32 s2, s3;
	[sflag:s6] =	ssyncadd.s32 $0xFFFF8000;
	s6 =	simm.s32 $0x12000  }
0xcc: {  	[hbm4b:s2+s5] =	stream.strided.scatter [tilespmem:s6], [sflag:$0x6], $0x8000, s21, s5, $0x38;
	[tilespmem:$0x1A000] =	vst v63  }
0xcd: {  	_ =	swait.ge [sflag:s26], $0x8000  }
0xce: {  	[sflag:s26] =	ssyncset.done $0x0  }
0xcf: {  	[sflag:s26] =	ssyncadd.s32 $0xFFFF8000  }
0xd0: {  	v2 =	vld.msk [tilespmem:s29+$0xFFFFFF80], $0xf;
	_ =	sdelay $0x4  }
0xd1: {  	v3 =	vshll.u32 v2, $0x6  }
0xd2: {  	v2 =	vand.u32 $0x7, v2;
	v3 =	vand.u32 $0xFFFFFE00, v3  }
0xd3: {  	v2 =	vor.u32 v2, v3  }
0xd4: {  	v2 =	vperm.xlane v2, v0;
	_ =	sdelay $0x1  }
0xd5: {  	v2 =	vadd.s32 v1, v2;
	_ =	sdelay $0x4  }
0xd6: {  	[tilespmem:s23], [sflag:$0x2] =	stream.indirect_vreg.gather [hbm4b:s30+s4], $0x80, v2, vm0, $0xb8;
	[tilespmem:$0x1A000] =	vst v63  }
0xd7: {  	s23 =	simm.s32 $0xA800  }
0xd8: {  	[tilespmem:s23], [sflag:$0x2] =	stream.indirect_vreg.gather [hbm4b:s7+s4], $0x80, v2, vm0, $0xb8;
	[tilespmem:$0x1A000] =	vst v63  }
0xd9: {  	s3 =	simm.s32 $0xB000  }
0xda: {  	[tilespmem:s3], [sflag:$0x2] =	stream.indirect_vreg.gather [hbm4b:s8+s4], $0x80, v2, vm0, $0xb8;
	[tilespmem:$0x1A000] =	vst v63  }
0xdb: {  	s26 =	simm.s32 $0xB800  }
0xdc: {  	[tilespmem:s26], [sflag:$0x2] =	stream.indirect_vreg.gather [hbm4b:s9+s4], $0x80, v2, vm0, $0xb8;
	[tilespmem:$0x1A000] =	vst v63  }
0xdd: {  	s3 =	simm.s32 $0xC000  }
0xde: {  	[tilespmem:s3], [sflag:$0x2] =	stream.indirect_vreg.gather [hbm4b:s10+s4], $0x80, v2, vm0, $0xb8;
	[tilespmem:$0x1A000] =	vst v63  }
0xdf: {  	s26 =	simm.s32 $0xC800  }
0xe0: {  	[tilespmem:s26], [sflag:$0x2] =	stream.indirect_vreg.gather [hbm4b:s11+s4], $0x80, v2, vm0, $0xb8;
	[tilespmem:$0x1A000] =	vst v63  }
0xe1: {  	s3 =	simm.s32 $0xD000  }
0xe2: {  	[tilespmem:s3], [sflag:$0x2] =	stream.indirect_vreg.gather [hbm4b:s12+s4], $0x80, v2, vm0, $0xb8;
	[tilespmem:$0x1A000] =	vst v63  }
0xe3: {  	s26 =	simm.s32 $0xD800  }
0xe4: {  	[tilespmem:s26], [sflag:$0x2] =	stream.indirect_vreg.gather [hbm4b:s13+s4], $0x80, v2, vm0, $0xb8;
	[tilespmem:$0x1A000] =	vst v63  }
0xe5: {  	s3 =	simm.s32 $0xE000  }
0xe6: {  	[tilespmem:s3], [sflag:$0x2] =	stream.indirect_vreg.gather [hbm4b:s14+s4], $0x80, v2, vm0, $0xb8;
	[tilespmem:$0x1A000] =	vst v63  }
0xe7: {  	s26 =	simm.s32 $0xE800  }
0xe8: {  	[tilespmem:s26], [sflag:$0x2] =	stream.indirect_vreg.gather [hbm4b:s15+s4], $0x80, v2, vm0, $0xb8;
	[tilespmem:$0x1A000] =	vst v63  }
0xe9: {  	s3 =	simm.s32 $0xF000  }
0xea: {  	[tilespmem:s3], [sflag:$0x2] =	stream.indirect_vreg.gather [hbm4b:s16+s4], $0x80, v2, vm0, $0xb8;
	[tilespmem:$0x1A000] =	vst v63  }
0xeb: {  	s26 =	simm.s32 $0xF800  }
0xec: {  	[tilespmem:s26], [sflag:$0x2] =	stream.indirect_vreg.gather [hbm4b:s17+s4], $0x80, v2, vm0, $0xb8;
	[tilespmem:$0x1A000] =	vst v63  }
0xed: {  	s3 =	simm.s32 $0x10000  }
0xee: {  	[tilespmem:s3], [sflag:$0x2] =	stream.indirect_vreg.gather [hbm4b:s18+s4], $0x80, v2, vm0, $0xb8;
	[tilespmem:$0x1A000] =	vst v63  }
0xef: {  	s26 =	simm.s32 $0x10800  }
0xf0: {  	[tilespmem:s26], [sflag:$0x2] =	stream.indirect_vreg.gather [hbm4b:s19+s4], $0x80, v2, vm0, $0xb8;
	[tilespmem:$0x1A000] =	vst v63  }
0xf1: {  	s3 =	simm.s32 $0x11000  }
0xf2: {  	[tilespmem:s3], [sflag:$0x2] =	stream.indirect_vreg.gather [hbm4b:s20+s4], $0x80, v2, vm0, $0xb8;
	[tilespmem:$0x1A000] =	vst v63  }
0xf3: {  	s26 =	simm.s32 $0x11800  }
0xf4: {  	[tilespmem:s26], [sflag:$0x2] =	stream.indirect_vreg.gather [hbm4b:s1+s4], $0x80, v2, vm0, $0xb8;
	[tilespmem:$0x1A000] =	vst v63  }
0xf5: {  	s26 =	simm.s32 $0x1  }
0xf6: {  	s3 =	sadd.s32 $0x3000, s31;
	s31 =	sand.u32 $0x40, s25;
	_ =	swait.ge [sflag:s26], $0x8000  }
0xf7: {  	s2 =	sand.u32 $0xFFE000, s3;
	s3 =	sadd.s32 s22, s31;
	[sflag:s26] =	ssyncset.done $0x0  }
0xf8: {  	s2 =	sadd.s32 s2, s3;
	[sflag:s26] =	ssyncadd.s32 $0xFFFF8000  }
0xf9: {  	[hbm4b:s2+s5] =	stream.strided.scatter [tilespmem:s24], [sflag:$0x4], $0x8000, s21, s5, $0x38;
	[tilespmem:$0x1A000] =	vst v63  }
0xfa: {  	s5 =	simm.s32 $0x6  }
0xfb: {  	_ =	swait.ge [sflag:s5], $0x8000  }
0xfc: {  	[sflag:s5] =	ssyncset.done $0x0  }
0xfd: {  	[sflag:s5] =	ssyncadd.s32 $0xFFFF8000  }
0xfe: {  	v2 =	vld.msk [tilespmem:s29+$0x0], $0xf;
	_ =	sdelay $0x4  }
0xff: {  	v3 =	vshll.u32 v2, $0x6  }
0x100: {  	v2 =	vand.u32 $0x7, v2;
	v3 =	vand.u32 $0xFFFFFE00, v3  }
0x101: {  	v2 =	vor.u32 v2, v3  }
0x102: {  	v2 =	vperm.xlane v2, v0;
	_ =	sdelay $0x1  }
0x103: {  	v2 =	vadd.s32 v1, v2;
	_ =	sdelay $0x4  }
0x104: {  	[tilespmem:s6], [sflag:$0x3] =	stream.indirect_vreg.gather [hbm4b:s30+s4], $0x80, v2, vm0, $0xb8;
	[tilespmem:$0x1A000] =	vst v63  }
0x105: {  	s6 =	simm.s32 $0x12800  }
0x106: {  	[tilespmem:s6], [sflag:$0x3] =	stream.indirect_vreg.gather [hbm4b:s7+s4], $0x80, v2, vm0, $0xb8;
	[tilespmem:$0x1A000] =	vst v63  }
0x107: {  	s7 =	simm.s32 $0x13000  }
0x108: {  	[tilespmem:s7], [sflag:$0x3] =	stream.indirect_vreg.gather [hbm4b:s8+s4], $0x80, v2, vm0, $0xb8;
	[tilespmem:$0x1A000] =	vst v63  }
0x109: {  	s8 =	simm.s32 $0x13800  }
0x10a: {  	[tilespmem:s8], [sflag:$0x3] =	stream.indirect_vreg.gather [hbm4b:s9+s4], $0x80, v2, vm0, $0xb8;
	[tilespmem:$0x1A000] =	vst v63  }
0x10b: {  	s9 =	simm.s32 $0x14000  }
0x10c: {  	[tilespmem:s9], [sflag:$0x3] =	stream.indirect_vreg.gather [hbm4b:s10+s4], $0x80, v2, vm0, $0xb8;
	[tilespmem:$0x1A000] =	vst v63  }
0x10d: {  	s10 =	simm.s32 $0x14800  }
0x10e: {  	[tilespmem:s10], [sflag:$0x3] =	stream.indirect_vreg.gather [hbm4b:s11+s4], $0x80, v2, vm0, $0xb8;
	[tilespmem:$0x1A000] =	vst v63  }
0x10f: {  	s11 =	simm.s32 $0x15000  }
0x110: {  	[tilespmem:s11], [sflag:$0x3] =	stream.indirect_vreg.gather [hbm4b:s12+s4], $0x80, v2, vm0, $0xb8;
	[tilespmem:$0x1A000] =	vst v63  }
0x111: {  	s12 =	simm.s32 $0x15800  }
0x112: {  	[tilespmem:s12], [sflag:$0x3] =	stream.indirect_vreg.gather [hbm4b:s13+s4], $0x80, v2, vm0, $0xb8;
	[tilespmem:$0x1A000] =	vst v63  }
0x113: {  	s13 =	simm.s32 $0x16000  }
0x114: {  	[tilespmem:s13], [sflag:$0x3] =	stream.indirect_vreg.gather [hbm4b:s14+s4], $0x80, v2, vm0, $0xb8;
	[tilespmem:$0x1A000] =	vst v63  }
0x115: {  	s14 =	simm.s32 $0x16800  }
0x116: {  	[tilespmem:s14], [sflag:$0x3] =	stream.indirect_vreg.gather [hbm4b:s15+s4], $0x80, v2, vm0, $0xb8;
	[tilespmem:$0x1A000] =	vst v63  }
0x117: {  	s15 =	simm.s32 $0x17000  }
0x118: {  	[tilespmem:s15], [sflag:$0x3] =	stream.indirect_vreg.gather [hbm4b:s16+s4], $0x80, v2, vm0, $0xb8;
	[tilespmem:$0x1A000] =	vst v63  }
0x119: {  	s16 =	simm.s32 $0x17800  }
0x11a: {  	[tilespmem:s16], [sflag:$0x3] =	stream.indirect_vreg.gather [hbm4b:s17+s4], $0x80, v2, vm0, $0xb8;
	[tilespmem:$0x1A000] =	vst v63  }
0x11b: {  	s21 =	simm.s32 $0x18000  }
0x11c: {  	[tilespmem:s21], [sflag:$0x3] =	stream.indirect_vreg.gather [hbm4b:s18+s4], $0x80, v2, vm0, $0xb8;
	[tilespmem:$0x1A000] =	vst v63  }
0x11d: {  	p0 =	sne.s32 s0, $0x39000;
	s30 =	smov.u32 s22;
	s22 =	simm.s32 $0x18800  }
0x11e: {  	[tilespmem:s22], [sflag:$0x3] =	stream.indirect_vreg.gather [hbm4b:s19+s4], $0x80, v2, vm0, $0xb8;
	[tilespmem:$0x1A000] =	vst v63  }
.Ltmp0:
0x11f: {  	s0 =	sadd.s32 $0x3000, s0;
	(pc) =	sbr.rel @p0 .LBB2_2-.Ltmp0, $4  }
0x120: {  	s28 =	sadd.s32 $0x40, s28;
	s25 =	sadd.s32 $0xC0, s25;
	s24 =	simm.s32 $0x19000  }
0x121: {  	[tilespmem:s24], [sflag:$0x3] =	stream.indirect_vreg.gather [hbm4b:s20+s4], $0x80, v2, vm0, $0xb8;
	[tilespmem:$0x1A000] =	vst v63  }
0x122: {  	s31 =	simm.s32 $0x19800;
	s26 =	simm.s32 $0x12000;
	s29 =	sadd.s32 $0x180, s29  }
0x123: {  	[tilespmem:s31], [sflag:$0x3] =	stream.indirect_vreg.gather [hbm4b:s1+s4], $0x80, v2, vm0, $0xb8;
	[tilespmem:$0x1A000] =	vst v63  }
0x124: {  	s0 =	simm.s32 $0x2  }
0x125: {  	s3 =	simm.s32 $0x200;
	_ =	swait.ge [sflag:s0], $0x8000  }
0x126: {  	s21 =	simm.s32 $0x400;
	s1 =	simm.s32 $0xA000;
	[sflag:s0] =	ssyncset.done $0x0  }
0x127: {  	s6 =	simm.s32 $0x4;
	s24 =	rddreg [dreg:$0x7];
	[sflag:s0] =	ssyncadd.s32 $0xFFFF8000  }
0x128: {  	[hbm4b:s24+s3] =	stream.strided.scatter [tilespmem:s1], [sflag:$0x5], $0x8000, s21, s3, $0x38;
	[tilespmem:$0x1A000] =	vst v63  }
0x129: {  	_ =	swait.ge [sflag:s6], $0x8000  }
0x12a: {  	[sflag:s6] =	ssyncset.done $0x0  }
0x12b: {  	[sflag:s6] =	ssyncadd.s32 $0xFFFF8000  }
0x12c: {  	v2 =	vld.msk [tilespmem:$0x1F80], $0xf;
	_ =	sdelay $0x4  }
0x12d: {  	v3 =	vshll.u32 v2, $0x6  }
0x12e: {  	v2 =	vand.u32 $0x7, v2;
	v3 =	vand.u32 $0xFFFFFE00, v3  }
0x12f: {  	v2 =	vor.u32 v2, v3  }
0x130: {  	v2 =	vperm.xlane v2, v0;
	_ =	sdelay $0x1  }
0x131: {  	v2 =	vadd.s32 v1, v2;
	_ =	sdelay $0x3  }
0x132: {  	s2 =	simm.s32 $0x2000;
	s25 =	rddreg [dreg:$0x1]  }
0x133: {  	[tilespmem:s2], [sflag:$0x1] =	stream.indirect_vreg.gather [hbm4b:s25+s4], $0x80, v2, vm0, $0xb8;
	[tilespmem:$0x1A000] =	vst v63  }
0x134: {  	s1 =	simm.s32 $0x2800;
	s5 =	rddreg [dreg:$0xb]  }
0x135: {  	[tilespmem:s1], [sflag:$0x1] =	stream.indirect_vreg.gather [hbm4b:s5+s4], $0x80, v2, vm0, $0xb8;
	[tilespmem:$0x1A000] =	vst v63  }
0x136: {  	s7 =	simm.s32 $0x3000;
	s8 =	rddreg [dreg:$0xc]  }
0x137: {  	[tilespmem:s7], [sflag:$0x1] =	stream.indirect_vreg.gather [hbm4b:s8+s4], $0x80, v2, vm0, $0xb8;
	[tilespmem:$0x1A000] =	vst v63  }
0x138: {  	s9 =	simm.s32 $0x3800;
	s10 =	rddreg [dreg:$0xd]  }
0x139: {  	[tilespmem:s9], [sflag:$0x1] =	stream.indirect_vreg.gather [hbm4b:s10+s4], $0x80, v2, vm0, $0xb8;
	[tilespmem:$0x1A000] =	vst v63  }
0x13a: {  	s11 =	simm.s32 $0x4000;
	s12 =	rddreg [dreg:$0xe]  }
0x13b: {  	[tilespmem:s11], [sflag:$0x1] =	stream.indirect_vreg.gather [hbm4b:s12+s4], $0x80, v2, vm0, $0xb8;
	[tilespmem:$0x1A000] =	vst v63  }
0x13c: {  	s13 =	simm.s32 $0x4800;
	s14 =	rddreg [dreg:$0xf]  }
0x13d: {  	[tilespmem:s13], [sflag:$0x1] =	stream.indirect_vreg.gather [hbm4b:s14+s4], $0x80, v2, vm0, $0xb8;
	[tilespmem:$0x1A000] =	vst v63  }
0x13e: {  	s15 =	simm.s32 $0x5000;
	s16 =	rddreg [dreg:$0x10]  }
0x13f: {  	[tilespmem:s15], [sflag:$0x1] =	stream.indirect_vreg.gather [hbm4b:s16+s4], $0x80, v2, vm0, $0xb8;
	[tilespmem:$0x1A000] =	vst v63  }
0x140: {  	s17 =	simm.s32 $0x5800;
	s18 =	rddreg [dreg:$0x11]  }
0x141: {  	[tilespmem:s17], [sflag:$0x1] =	stream.indirect_vreg.gather [hbm4b:s18+s4], $0x80, v2, vm0, $0xb8;
	[tilespmem:$0x1A000] =	vst v63  }
0x142: {  	s19 =	simm.s32 $0x6000;
	s20 =	rddreg [dreg:$0x12]  }
0x143: {  	[tilespmem:s19], [sflag:$0x1] =	stream.indirect_vreg.gather [hbm4b:s20+s4], $0x80, v2, vm0, $0xb8;
	[tilespmem:$0x1A000] =	vst v63  }
0x144: {  	s22 =	simm.s32 $0x6800;
	s24 =	rddreg [dreg:$0x13]  }
0x145: {  	[tilespmem:s22], [sflag:$0x1] =	stream.indirect_vreg.gather [hbm4b:s24+s4], $0x80, v2, vm0, $0xb8;
	[tilespmem:$0x1A000] =	vst v63  }
0x146: {  	s25 =	simm.s32 $0x7000;
	s1 =	rddreg [dreg:$0x14]  }
0x147: {  	[tilespmem:s25], [sflag:$0x1] =	stream.indirect_vreg.gather [hbm4b:s1+s4], $0x80, v2, vm0, $0xb8;
	[tilespmem:$0x1A000] =	vst v63  }
0x148: {  	s7 =	simm.s32 $0x7800;
	s8 =	rddreg [dreg:$0x15]  }
0x149: {  	[tilespmem:s7], [sflag:$0x1] =	stream.indirect_vreg.gather [hbm4b:s8+s4], $0x80, v2, vm0, $0xb8;
	[tilespmem:$0x1A000] =	vst v63  }
0x14a: {  	s9 =	simm.s32 $0x8000;
	s10 =	rddreg [dreg:$0x16]  }
0x14b: {  	[tilespmem:s9], [sflag:$0x1] =	stream.indirect_vreg.gather [hbm4b:s10+s4], $0x80, v2, vm0, $0xb8;
	[tilespmem:$0x1A000] =	vst v63  }
0x14c: {  	s11 =	simm.s32 $0x8800;
	s12 =	rddreg [dreg:$0x17]  }
0x14d: {  	[tilespmem:s11], [sflag:$0x1] =	stream.indirect_vreg.gather [hbm4b:s12+s4], $0x80, v2, vm0, $0xb8;
	[tilespmem:$0x1A000] =	vst v63  }
0x14e: {  	s13 =	simm.s32 $0x9000;
	s14 =	rddreg [dreg:$0x18]  }
0x14f: {  	[tilespmem:s13], [sflag:$0x1] =	stream.indirect_vreg.gather [hbm4b:s14+s4], $0x80, v2, vm0, $0xb8;
	[tilespmem:$0x1A000] =	vst v63  }
0x150: {  	s15 =	simm.s32 $0x9800;
	s16 =	rddreg [dreg:$0x19];
	s17 =	simm.s32 $0x3  }
0x151: {  	[tilespmem:s15], [sflag:$0x1] =	stream.indirect_vreg.gather [hbm4b:s16+s4], $0x80, v2, vm0, $0xb8;
	[tilespmem:$0x1A000] =	vst v63  }
0x152: {  	_ =	swait.ge [sflag:s17], $0x8000  }
0x153: {  	[sflag:s17] =	ssyncset.done $0x0  }
0x154: {  	s19 =	simm.s32 $0x1;
	s18 =	rddreg [dreg:$0x8];
	[sflag:s17] =	ssyncadd.s32 $0xFFFF8000  }
0x155: {  	[hbm4b:s18+s3] =	stream.strided.scatter [tilespmem:s26], [sflag:$0x6], $0x8000, s21, s3, $0x38;
	[tilespmem:$0x1A000] =	vst v63  }
0x156: {  	_ =	swait.ge [sflag:s19], $0x8000  }
0x157: {  	[sflag:s19] =	ssyncset.done $0x0  }
0x158: {  	s20 =	rddreg [dreg:$0x9];
	[sflag:s19] =	ssyncadd.s32 $0xFFFF8000  }
0x159: {  	[hbm4b:s20+s3] =	stream.strided.scatter [tilespmem:s2], [sflag:$0x4], $0x8000, s21, s3, $0x38;
	[tilespmem:$0x1A000] =	vst v63  }
0x15a: {  	s21 =	simm.s32 $0x5  }
0x15b: {  	_ =	swait.ge [sflag:s21], $0x8000  }
0x15c: {  	[sflag:s21] =	ssyncset.done $0x0  }
0x15d: {  	s22 =	simm.s32 $0x6;
	[sflag:s21] =	ssyncadd.s32 $0xFFFF8000  }
0x15e: {  	_ =	swait.ge [sflag:s22], $0x8000  }
0x15f: {  	[sflag:s22] =	ssyncset.done $0x0  }
0x160: {  	[sflag:s22] =	ssyncadd.s32 $0xFFFF8000  }
0x161: {  	_ =	swait.ge [sflag:s6], $0x8000  }
0x162: {  	s24 =	rddreg [dreg:$0x1a]  }
0x163: {  	s25 =	rddreg [dreg:$0xa];
	s1 =	sadd.s32 $0x1, s24  }
0x164: {  	p0 =	sne.s32 s1, s25  }
.Ltmp1:
0x165: {  	_ = 	snop;
	(pc) =	sbr.rel @p0 .LBB2_1-.Ltmp1, $4  }
0x166: {  	s28 =	simm.s32 $0xC800  }
0x167: {  	s29 =	simm.s32 $0xD000;
	s31 =	simm.s32 $0xD800;
	s5 =	simm.s32 $0x400  }
0x168: {  	s21 =	simm.s32 $0x12800;
	s22 =	simm.s32 $0xB000;
	[sflag:s6] =	ssyncset.done $0x0  }
0x169: {  	[sflag:s6] =	ssyncadd.s32 $0xFFFF8000;
	s24 =	simm.s32 $0xB800;
	s25 =	simm.s32 $0xC000  }
0x16a: {  	_ =	sfence.sel $0x180000  }
0x16b: {  	[bflag:$0x0] =	sbarrier.arrive $0xFFFF  }
0x16c: {  	_ =	strace $0x90000047  }
0x16d: {  	s0 =	stileid.u32;
	[bflag:$0x2] =	sbarrier.arrive $0xFFFF  }
0x16e: {  	p0 =	sne.s32 s0, $0x0;
	s0 =	rddreg [dreg:$0x3]  }
0x16f: {  	s0 =	sadd.s32 @!p0 $0x100000, s0  }
0x170: {  	[sflag:s0] =	ssyncadd.tile.s32 @!p0 $0x1;
	_ =	shalt  }
.Lfunc_end2:
_tile_overlayer_lowered:
.L_overlay_start_2:
0x171: {  	(tag) =	ssettag $0x2  }
0x172: {  	s0 =	rddreg [dreg:$0x0];
	s2 =	stileid.u32  }
0x173: {  	s1 =	rddreg [dreg:$0x1];
	p0 =	sne.s32 s2, $0x0  }
0x174: {  	s3 =	rddreg [dreg:$0x2];
	[bflag:$0x3] =	sbarrier.arrive $0xFFFF;
	s2 =	simm.s32 @!p0 $0x1C07  }
0x175: {  	[timem:s3], [sflag:s2] =	dma.local @!p0 [hbm:s0], s1  }
0x176: {  	s0 =	simm.s32 @!p0 $0x7  }
0x177: {  	_ =	swait.ge @!p0 [sflag:s0], s1  }
0x178: {  	s1 =	ssub.s32 @!p0 $0x0, s1;
	[sflag:s0] =	ssyncset.done @!p0 $0x0  }
0x179: {  	[sflag:s0] =	ssyncadd.s32 @!p0 s1  }
0x17a: {  	[bflag:$0x3] =	sbarrier.arrive $0xFFFF  }
0x17b: {  	_ =	shalt  }

</sc_bundles>
